<compile_context>
chip_gen: v7x
topology: tpu7x:2x2x1
jax: 0.10.2.dev20260603
libtpu: 0.0.44.dev20260713+nightly
codegen_flags: <defaults>
</compile_context>

<pallas_src>
import functools

import jax
import jax.numpy as jnp
from jax import lax
from jax.experimental import pallas as pl
from jax.experimental.pallas import tpu as pltpu
from jax.experimental.pallas import tpu_sc as plsc

D = 32
B = 16384 * 200
NC, NS = 2, 16
NW = NC * NS
B_PER_W = B // NW
CHUNK = 512
NCHUNK = B_PER_W // CHUNK
NI = 10
NR = 5
PF = NI - NR + 1

assert NCHUNK % NI == 0 and NI % NR == 0


@functools.partial(
    pl.kernel,
    mesh=plsc.VectorSubcoreMesh(core_axis_name="c", subcore_axis_name="s"),
    out_type=jax.ShapeDtypeStruct((B, D), jnp.float32),
    scratch_types=[
        pltpu.VMEM((NI, CHUNK), jnp.int32),
        pltpu.VMEM((NR, CHUNK, D), jnp.float32),
        [pltpu.SemaphoreType.DMA] * NI,
        [pltpu.SemaphoreType.DMA] * NR,
        [pltpu.SemaphoreType.DMA] * NR,
    ],
    compiler_params=pltpu.CompilerParams(use_tc_tiling_on_sc=False),
)
def _embed_gather(num_hbm, table_hbm, out_hbm, idx_v, rows_v, idx_sem,
                  gather_sem, store_sem):
    wid = lax.axis_index("s") * NC + lax.axis_index("c")
    base = wid * B_PER_W

    def idx_copy(chunk, slot):
        return pltpu.make_async_copy(
            num_hbm.at[pl.ds(base + chunk * CHUNK, CHUNK)],
            idx_v.at[slot], idx_sem[slot])

    def gather_copy(islot, rslot):
        return pltpu.make_async_copy(
            table_hbm.at[idx_v.at[islot]], rows_v.at[rslot],
            gather_sem[rslot])

    def store_copy(chunk, rslot):
        return pltpu.make_async_copy(
            rows_v.at[rslot],
            out_hbm.at[pl.ds(base + chunk * CHUNK, CHUNK)],
            store_sem[rslot])

    for q in range(PF):
        idx_copy(q, q).start()

    def body(j, carry):
        for u in range(NI):
            i = j * NI + u
            b = u % NR
            idx_copy(i, u).wait()
            @pl.when(i >= NR)
            def _():
                store_copy(i - NR, b).wait()
            gather_copy(u, b).start()
            @pl.when(i >= NR - 1)
            def _():
                gather_copy((u - NR + 1) % NI, (b + 1) % NR).wait()
                store_copy(i - NR + 1, (b + 1) % NR).start()
            @pl.when(i + PF < NCHUNK)
            def _():
                idx_copy(i + PF, (u + PF) % NI).start()
        return carry

    lax.fori_loop(0, NCHUNK // NI, body, 0, unroll=False)

    for t in range(NR - 1):
        c = NCHUNK - NR + 1 + t
        gather_copy(c % NI, c % NR).wait()
        store_copy(c, c % NR).start()
    for t in range(NR):
        c = NCHUNK - NR + t
        store_copy(c, c % NR).wait()


def kernel(num, table):
    flat = num.reshape(-1).astype(jnp.int32)
    out = _embed_gather(flat, table)
    return out.reshape(num.shape + (D,))

# --- scband reference (transcript-rebuilt; emitter-appended) ---
"""Pipeline reference for scband-word-embedding-39402029974040 (READ-ONLY COPY).

The authoritative reference and input builder live on the scoring server;
editing this copy changes nothing except your own understanding.
"""

import jax, jax.numpy as jnp
import numpy as np

VOCAB = 1000000
EMBED_DIM = 32
BATCH = 16384
HIST = 200

def setup_inputs(seed: int = 0) -> dict:
    key = jax.random.key(seed)
    k1, k2 = jax.random.split(key)
    num = jax.random.randint(k1, (BATCH, HIST), 0, VOCAB, dtype=jnp.int64) if jax.config.jax_enable_x64 else jax.random.randint(k1, (BATCH, HIST), 0, VOCAB, dtype=jnp.int32)
    table = jax.random.normal(k2, (VOCAB, EMBED_DIM), dtype=jnp.float32)
    return {"num": num, "table": table}

def reference(num, table):
    # torch.nn.Embedding forward == row gather from the embedding table
    word_vec = jnp.take(table, num, axis=0)
    return word_vec

if __name__ == "__main__":
    import jax
    _d = setup_inputs()
    print(jax.jit(kernel)(*tuple(_d.values())))

</pallas_src>

<mosaic_0001>
#map = affine_map<(d0, d1) -> (0)>
#map1 = affine_map<(d0, d1) -> (0, 0)>
module attributes {stable_mosaic.version = 14 : i64} {
  func.func @_embed_gather(%arg0: i32, %arg1: i32, %arg2: memref<3276800xi32, #tpu.memory_space<hbm>>, %arg3: memref<1000000x32xf32, #tpu.memory_space<hbm>>, %arg4: memref<3276800x32xf32, #tpu.memory_space<hbm>>, %arg5: memref<10x512xi32, #tpu.memory_space<vmem>>, %arg6: memref<5x512x32xf32, #tpu.memory_space<vmem>>, %arg7: memref<!tpu.dma_semaphore, #tpu.memory_space<semaphore_mem>>, %arg8: memref<!tpu.dma_semaphore, #tpu.memory_space<semaphore_mem>>, %arg9: memref<!tpu.dma_semaphore, #tpu.memory_space<semaphore_mem>>, %arg10: memref<!tpu.dma_semaphore, #tpu.memory_space<semaphore_mem>>, %arg11: memref<!tpu.dma_semaphore, #tpu.memory_space<semaphore_mem>>, %arg12: memref<!tpu.dma_semaphore, #tpu.memory_space<semaphore_mem>>, %arg13: memref<!tpu.dma_semaphore, #tpu.memory_space<semaphore_mem>>, %arg14: memref<!tpu.dma_semaphore, #tpu.memory_space<semaphore_mem>>, %arg15: memref<!tpu.dma_semaphore, #tpu.memory_space<semaphore_mem>>, %arg16: memref<!tpu.dma_semaphore, #tpu.memory_space<semaphore_mem>>, %arg17: memref<!tpu.dma_semaphore, #tpu.memory_space<semaphore_mem>>, %arg18: memref<!tpu.dma_semaphore, #tpu.memory_space<semaphore_mem>>, %arg19: memref<!tpu.dma_semaphore, #tpu.memory_space<semaphore_mem>>, %arg20: memref<!tpu.dma_semaphore, #tpu.memory_space<semaphore_mem>>, %arg21: memref<!tpu.dma_semaphore, #tpu.memory_space<semaphore_mem>>, %arg22: memref<!tpu.dma_semaphore, #tpu.memory_space<semaphore_mem>>, %arg23: memref<!tpu.dma_semaphore, #tpu.memory_space<semaphore_mem>>, %arg24: memref<!tpu.dma_semaphore, #tpu.memory_space<semaphore_mem>>, %arg25: memref<!tpu.dma_semaphore, #tpu.memory_space<semaphore_mem>>, %arg26: memref<!tpu.dma_semaphore, #tpu.memory_space<semaphore_mem>>) attributes {dimension_semantics = [#tpu.dimension_semantics<core_parallel>, #tpu.dimension_semantics<subcore_parallel>], iteration_bounds = array<i64: 2, 16>, scalar_prefetch = 0 : i64, scratch_operands = 22 : i64, tpu.core_type = #tpu.core_type<sc_vector_subcore>, window_params = [{transform_indices = #map}, {transform_indices = #map1}, {transform_indices = #map1}]} {
    %mul3A = arith.constant 2 : i32
    %mul3A_0 = arith.muli %arg1, %mul3A : i32
    %add3A = arith.addi %mul3A_0, %arg0 : i32
    %mul3A_1 = arith.constant 102400 : i32
    %mul3A_2 = arith.muli %add3A, %mul3A_1 : i32
    %add3A_3 = arith.constant 0 : i32
    %add3A_4 = arith.addi %mul3A_2, %add3A_3 : i32
    %dma_start3A = arith.constant 0 : i32
    %dma_start3A_5 = arith.constant 0 : i32
    %dma_start3A_6 = tpu.memref_slice %arg5[%dma_start3A, %dma_start3A_5] : memref<10x512xi32, #tpu.memory_space<vmem>> -> memref<1x512xi32, #tpu.memory_space<vmem>>
    %dma_start3A_7 = tpu.memref_squeeze %dma_start3A_6 : memref<1x512xi32, #tpu.memory_space<vmem>> -> memref<512xi32, #tpu.memory_space<vmem>>
    %dma_start3A_8 = tpu.memref_slice %arg2[%add3A_4] : memref<3276800xi32, #tpu.memory_space<hbm>> -> memref<512xi32, #tpu.memory_space<hbm>>
    %dma_start3A_9 = arith.constant 0 : i32
    %dma_start3A_10 = tpu.memref_slice %arg5[%dma_start3A, %dma_start3A_9] : memref<10x512xi32, #tpu.memory_space<vmem>> -> memref<1x512xi32, #tpu.memory_space<vmem>>
    %dma_start3A_11 = tpu.memref_squeeze %dma_start3A_10 : memref<1x512xi32, #tpu.memory_space<vmem>> -> memref<512xi32, #tpu.memory_space<vmem>>
    %dma_start3A_12 = tpu.memref_slice %arg2[%add3A_4] : memref<3276800xi32, #tpu.memory_space<hbm>> -> memref<512xi32, #tpu.memory_space<hbm>>
    tpu.enqueue_dma source(%dma_start3A_12 : memref<512xi32, #tpu.memory_space<hbm>>) target(%dma_start3A_11 : memref<512xi32, #tpu.memory_space<vmem>>) target_semaphore(%arg7 : memref<!tpu.dma_semaphore, #tpu.memory_space<semaphore_mem>>)
    %add3A_13 = arith.constant 512 : i32
    %add3A_14 = arith.addi %mul3A_2, %add3A_13 : i32
    %dma_start3A_15 = arith.constant 1 : i32
    %dma_start3A_16 = arith.constant 0 : i32
    %dma_start3A_17 = tpu.memref_slice %arg5[%dma_start3A_15, %dma_start3A_16] : memref<10x512xi32, #tpu.memory_space<vmem>> -> memref<1x512xi32, #tpu.memory_space<vmem>>
    %dma_start3A_18 = tpu.memref_squeeze %dma_start3A_17 : memref<1x512xi32, #tpu.memory_space<vmem>> -> memref<512xi32, #tpu.memory_space<vmem>>
    %dma_start3A_19 = tpu.memref_slice %arg2[%add3A_14] : memref<3276800xi32, #tpu.memory_space<hbm>> -> memref<512xi32, #tpu.memory_space<hbm>>
    %dma_start3A_20 = arith.constant 0 : i32
    %dma_start3A_21 = tpu.memref_slice %arg5[%dma_start3A_15, %dma_start3A_20] : memref<10x512xi32, #tpu.memory_space<vmem>> -> memref<1x512xi32, #tpu.memory_space<vmem>>
    %dma_start3A_22 = tpu.memref_squeeze %dma_start3A_21 : memref<1x512xi32, #tpu.memory_space<vmem>> -> memref<512xi32, #tpu.memory_space<vmem>>
    %dma_start3A_23 = tpu.memref_slice %arg2[%add3A_14] : memref<3276800xi32, #tpu.memory_space<hbm>> -> memref<512xi32, #tpu.memory_space<hbm>>
    tpu.enqueue_dma source(%dma_start3A_23 : memref<512xi32, #tpu.memory_space<hbm>>) target(%dma_start3A_22 : memref<512xi32, #tpu.memory_space<vmem>>) target_semaphore(%arg8 : memref<!tpu.dma_semaphore, #tpu.memory_space<semaphore_mem>>)
    %add3A_24 = arith.constant 1024 : i32
    %add3A_25 = arith.addi %mul3A_2, %add3A_24 : i32
    %dma_start3A_26 = arith.constant 2 : i32
    %dma_start3A_27 = arith.constant 0 : i32
    %dma_start3A_28 = tpu.memref_slice %arg5[%dma_start3A_26, %dma_start3A_27] : memref<10x512xi32, #tpu.memory_space<vmem>> -> memref<1x512xi32, #tpu.memory_space<vmem>>
    %dma_start3A_29 = tpu.memref_squeeze %dma_start3A_28 : memref<1x512xi32, #tpu.memory_space<vmem>> -> memref<512xi32, #tpu.memory_space<vmem>>
    %dma_start3A_30 = tpu.memref_slice %arg2[%add3A_25] : memref<3276800xi32, #tpu.memory_space<hbm>> -> memref<512xi32, #tpu.memory_space<hbm>>
    %dma_start3A_31 = arith.constant 0 : i32
    %dma_start3A_32 = tpu.memref_slice %arg5[%dma_start3A_26, %dma_start3A_31] : memref<10x512xi32, #tpu.memory_space<vmem>> -> memref<1x512xi32, #tpu.memory_space<vmem>>
    %dma_start3A_33 = tpu.memref_squeeze %dma_start3A_32 : memref<1x512xi32, #tpu.memory_space<vmem>> -> memref<512xi32, #tpu.memory_space<vmem>>
    %dma_start3A_34 = tpu.memref_slice %arg2[%add3A_25] : memref<3276800xi32, #tpu.memory_space<hbm>> -> memref<512xi32, #tpu.memory_space<hbm>>
    tpu.enqueue_dma source(%dma_start3A_34 : memref<512xi32, #tpu.memory_space<hbm>>) target(%dma_start3A_33 : memref<512xi32, #tpu.memory_space<vmem>>) target_semaphore(%arg9 : memref<!tpu.dma_semaphore, #tpu.memory_space<semaphore_mem>>)
    %add3A_35 = arith.constant 1536 : i32
    %add3A_36 = arith.addi %mul3A_2, %add3A_35 : i32
    %dma_start3A_37 = arith.constant 3 : i32
    %dma_start3A_38 = arith.constant 0 : i32
    %dma_start3A_39 = tpu.memref_slice %arg5[%dma_start3A_37, %dma_start3A_38] : memref<10x512xi32, #tpu.memory_space<vmem>> -> memref<1x512xi32, #tpu.memory_space<vmem>>
    %dma_start3A_40 = tpu.memref_squeeze %dma_start3A_39 : memref<1x512xi32, #tpu.memory_space<vmem>> -> memref<512xi32, #tpu.memory_space<vmem>>
    %dma_start3A_41 = tpu.memref_slice %arg2[%add3A_36] : memref<3276800xi32, #tpu.memory_space<hbm>> -> memref<512xi32, #tpu.memory_space<hbm>>
    %dma_start3A_42 = arith.constant 0 : i32
    %dma_start3A_43 = tpu.memref_slice %arg5[%dma_start3A_37, %dma_start3A_42] : memref<10x512xi32, #tpu.memory_space<vmem>> -> memref<1x512xi32, #tpu.memory_space<vmem>>
    %dma_start3A_44 = tpu.memref_squeeze %dma_start3A_43 : memref<1x512xi32, #tpu.memory_space<vmem>> -> memref<512xi32, #tpu.memory_space<vmem>>
    %dma_start3A_45 = tpu.memref_slice %arg2[%add3A_36] : memref<3276800xi32, #tpu.memory_space<hbm>> -> memref<512xi32, #tpu.memory_space<hbm>>
    tpu.enqueue_dma source(%dma_start3A_45 : memref<512xi32, #tpu.memory_space<hbm>>) target(%dma_start3A_44 : memref<512xi32, #tpu.memory_space<vmem>>) target_semaphore(%arg10 : memref<!tpu.dma_semaphore, #tpu.memory_space<semaphore_mem>>)
    %add3A_46 = arith.constant 2048 : i32
    %add3A_47 = arith.addi %mul3A_2, %add3A_46 : i32
    %dma_start3A_48 = arith.constant 4 : i32
    %dma_start3A_49 = arith.constant 0 : i32
    %dma_start3A_50 = tpu.memref_slice %arg5[%dma_start3A_48, %dma_start3A_49] : memref<10x512xi32, #tpu.memory_space<vmem>> -> memref<1x512xi32, #tpu.memory_space<vmem>>
    %dma_start3A_51 = tpu.memref_squeeze %dma_start3A_50 : memref<1x512xi32, #tpu.memory_space<vmem>> -> memref<512xi32, #tpu.memory_space<vmem>>
    %dma_start3A_52 = tpu.memref_slice %arg2[%add3A_47] : memref<3276800xi32, #tpu.memory_space<hbm>> -> memref<512xi32, #tpu.memory_space<hbm>>
    %dma_start3A_53 = arith.constant 0 : i32
    %dma_start3A_54 = tpu.memref_slice %arg5[%dma_start3A_48, %dma_start3A_53] : memref<10x512xi32, #tpu.memory_space<vmem>> -> memref<1x512xi32, #tpu.memory_space<vmem>>
    %dma_start3A_55 = tpu.memref_squeeze %dma_start3A_54 : memref<1x512xi32, #tpu.memory_space<vmem>> -> memref<512xi32, #tpu.memory_space<vmem>>
    %dma_start3A_56 = tpu.memref_slice %arg2[%add3A_47] : memref<3276800xi32, #tpu.memory_space<hbm>> -> memref<512xi32, #tpu.memory_space<hbm>>
    tpu.enqueue_dma source(%dma_start3A_56 : memref<512xi32, #tpu.memory_space<hbm>>) target(%dma_start3A_55 : memref<512xi32, #tpu.memory_space<vmem>>) target_semaphore(%arg11 : memref<!tpu.dma_semaphore, #tpu.memory_space<semaphore_mem>>)
    %add3A_57 = arith.constant 2560 : i32
    %add3A_58 = arith.addi %mul3A_2, %add3A_57 : i32
    %dma_start3A_59 = arith.constant 5 : i32
    %dma_start3A_60 = arith.constant 0 : i32
    %dma_start3A_61 = tpu.memref_slice %arg5[%dma_start3A_59, %dma_start3A_60] : memref<10x512xi32, #tpu.memory_space<vmem>> -> memref<1x512xi32, #tpu.memory_space<vmem>>
    %dma_start3A_62 = tpu.memref_squeeze %dma_start3A_61 : memref<1x512xi32, #tpu.memory_space<vmem>> -> memref<512xi32, #tpu.memory_space<vmem>>
    %dma_start3A_63 = tpu.memref_slice %arg2[%add3A_58] : memref<3276800xi32, #tpu.memory_space<hbm>> -> memref<512xi32, #tpu.memory_space<hbm>>
    %dma_start3A_64 = arith.constant 0 : i32
    %dma_start3A_65 = tpu.memref_slice %arg5[%dma_start3A_59, %dma_start3A_64] : memref<10x512xi32, #tpu.memory_space<vmem>> -> memref<1x512xi32, #tpu.memory_space<vmem>>
    %dma_start3A_66 = tpu.memref_squeeze %dma_start3A_65 : memref<1x512xi32, #tpu.memory_space<vmem>> -> memref<512xi32, #tpu.memory_space<vmem>>
    %dma_start3A_67 = tpu.memref_slice %arg2[%add3A_58] : memref<3276800xi32, #tpu.memory_space<hbm>> -> memref<512xi32, #tpu.memory_space<hbm>>
    tpu.enqueue_dma source(%dma_start3A_67 : memref<512xi32, #tpu.memory_space<hbm>>) target(%dma_start3A_66 : memref<512xi32, #tpu.memory_space<vmem>>) target_semaphore(%arg12 : memref<!tpu.dma_semaphore, #tpu.memory_space<semaphore_mem>>)
    %scan3A = arith.constant 0 : i32
    %scan3A_68 = arith.constant 0 : i32
    %scan3A_69 = arith.constant 20 : i32
    %scan3A_70 = arith.addi %scan3A_68, %scan3A_69 : i32
    %scan3A_71 = arith.constant 1 : i32
    scf.for %scan3A_255 = %scan3A_68 to %scan3A_70 step %scan3A_71  : i32 {
      %mul3A_256 = arith.constant 10 : i32
      %mul3A_257 = arith.muli %scan3A_255, %mul3A_256 : i32
      %add3A_258 = arith.constant 0 : i32
      %add3A_259 = arith.addi %mul3A_257, %add3A_258 : i32
      %mul3A_260 = arith.constant 512 : i32
      %mul3A_261 = arith.muli %add3A_259, %mul3A_260 : i32
      %add3A_262 = arith.addi %mul3A_2, %mul3A_261 : i32
      %dma_wait3A_263 = arith.constant 0 : i32
      %dma_wait3A_264 = arith.constant 0 : i32
      %dma_wait3A_265 = tpu.memref_slice %arg5[%dma_wait3A_263, %dma_wait3A_264] : memref<10x512xi32, #tpu.memory_space<vmem>> -> memref<1x512xi32, #tpu.memory_space<vmem>>
      %dma_wait3A_266 = tpu.memref_squeeze %dma_wait3A_265 : memref<1x512xi32, #tpu.memory_space<vmem>> -> memref<512xi32, #tpu.memory_space<vmem>>
      %dma_wait3A_267 = tpu.memref_slice %arg2[%add3A_262] : memref<3276800xi32, #tpu.memory_space<hbm>> -> memref<512xi32, #tpu.memory_space<hbm>>
      %dma_wait3A_268 = arith.constant 0 : i32
      %dma_wait3A_269 = tpu.memref_slice %arg5[%dma_wait3A_263, %dma_wait3A_268] : memref<10x512xi32, #tpu.memory_space<vmem>> -> memref<1x512xi32, #tpu.memory_space<vmem>>
      %dma_wait3A_270 = tpu.memref_squeeze %dma_wait3A_269 : memref<1x512xi32, #tpu.memory_space<vmem>> -> memref<512xi32, #tpu.memory_space<vmem>>
      %dma_wait3A_271 = tpu.memref_slice %arg2[%add3A_262] : memref<3276800xi32, #tpu.memory_space<hbm>> -> memref<512xi32, #tpu.memory_space<hbm>>
      tpu.wait_dma2 semaphore(%arg7 : memref<!tpu.dma_semaphore, #tpu.memory_space<semaphore_mem>>) src(%dma_wait3A_271 : memref<512xi32, #tpu.memory_space<hbm>>) dst(%dma_wait3A_270 : memref<512xi32, #tpu.memory_space<vmem>>)
      %ge3A = arith.constant 5 : i32
      %ge3A_272 = arith.cmpi sge, %add3A_259, %ge3A : i32
      %convert_element_type3A = arith.extui %ge3A_272 : i1 to i32
      %cond3A = arith.constant 0 : i32
      %cond3A_273 = arith.cmpi ne, %convert_element_type3A, %cond3A : i32
      scf.if %cond3A_273 {
        %sub3A = arith.constant 5 : i32
        %sub3A_702 = arith.subi %add3A_259, %sub3A : i32
        %mul3A_703 = arith.constant 512 : i32
        %mul3A_704 = arith.muli %sub3A_702, %mul3A_703 : i32
        %add3A_705 = arith.addi %mul3A_2, %mul3A_704 : i32
        %dma_wait3A_706 = arith.constant 0 : i32
        %dma_wait3A_707 = arith.constant 0 : i32
        %dma_wait3A_708 = arith.constant 0 : i32
        %dma_wait3A_709 = tpu.memref_slice %arg6[%dma_wait3A_706, %dma_wait3A_707, %dma_wait3A_708] : memref<5x512x32xf32, #tpu.memory_space<vmem>> -> memref<1x512x32xf32, #tpu.memory_space<vmem>>
        %dma_wait3A_710 = tpu.memref_squeeze %dma_wait3A_709 : memref<1x512x32xf32, #tpu.memory_space<vmem>> -> memref<512x32xf32, #tpu.memory_space<vmem>>
        %dma_wait3A_711 = arith.constant 0 : i32
        %dma_wait3A_712 = tpu.memref_slice %arg4[%add3A_705, %dma_wait3A_711] : memref<3276800x32xf32, #tpu.memory_space<hbm>> -> memref<512x32xf32, #tpu.memory_space<hbm>>
        %dma_wait3A_713 = arith.constant 0 : i32
        %dma_wait3A_714 = tpu.memref_slice %arg4[%add3A_705, %dma_wait3A_713] : memref<3276800x32xf32, #tpu.memory_space<hbm>> -> memref<512x32xf32, #tpu.memory_space<hbm>>
        %dma_wait3A_715 = arith.constant 0 : i32
        %dma_wait3A_716 = arith.constant 0 : i32
        %dma_wait3A_717 = tpu.memref_slice %arg6[%dma_wait3A_706, %dma_wait3A_715, %dma_wait3A_716] : memref<5x512x32xf32, #tpu.memory_space<vmem>> -> memref<1x512x32xf32, #tpu.memory_space<vmem>>
        %dma_wait3A_718 = tpu.memref_squeeze %dma_wait3A_717 : memref<1x512x32xf32, #tpu.memory_space<vmem>> -> memref<512x32xf32, #tpu.memory_space<vmem>>
        tpu.wait_dma2 semaphore(%arg22 : memref<!tpu.dma_semaphore, #tpu.memory_space<semaphore_mem>>) src(%dma_wait3A_718 : memref<512x32xf32, #tpu.memory_space<vmem>>) dst(%dma_wait3A_714 : memref<512x32xf32, #tpu.memory_space<hbm>>)
      } else {
      }
      %dma_start3A_274 = arith.constant 0 : i32
      %dma_start3A_275 = arith.constant 0 : i32
      %dma_start3A_276 = arith.constant 0 : i32
      %dma_start3A_277 = arith.constant 0 : i32
      %dma_start3A_278 = tpu.memref_slice %arg6[%dma_start3A_275, %dma_start3A_276, %dma_start3A_277] : memref<5x512x32xf32, #tpu.memory_space<vmem>> -> memref<1x512x32xf32, #tpu.memory_space<vmem>>
      %dma_start3A_279 = tpu.memref_squeeze %dma_start3A_278 : memref<1x512x32xf32, #tpu.memory_space<vmem>> -> memref<512x32xf32, #tpu.memory_space<vmem>>
      %dma_start3A_280 = arith.constant 0 : i32
      %dma_start3A_281 = tpu.memref_slice %arg5[%dma_start3A_274, %dma_start3A_280] : memref<10x512xi32, #tpu.memory_space<vmem>> -> memref<1x512xi32, #tpu.memory_space<vmem>>
      %dma_start3A_282 = tpu.memref_squeeze %dma_start3A_281 : memref<1x512xi32, #tpu.memory_space<vmem>> -> memref<512xi32, #tpu.memory_space<vmem>>
      %dma_start3A_283 = arith.constant 0 : i32
      %dma_start3A_284 = arith.constant 0 : i32
      %dma_start3A_285 = tpu.memref_slice %arg3[%dma_start3A_283, %dma_start3A_284] : memref<1000000x32xf32, #tpu.memory_space<hbm>> -> memref<1000000x32xf32, #tpu.memory_space<hbm>>
      tpu.enqueue_indirect_dma source(%dma_start3A_285 : memref<1000000x32xf32, #tpu.memory_space<hbm>>) target(%dma_start3A_279 : memref<512x32xf32, #tpu.memory_space<vmem>>) offsets(%dma_start3A_282 : memref<512xi32, #tpu.memory_space<vmem>>) semaphore(%arg17 : memref<!tpu.dma_semaphore, #tpu.memory_space<semaphore_mem>>)
      %ge3A_286 = arith.constant 4 : i32
      %ge3A_287 = arith.cmpi sge, %add3A_259, %ge3A_286 : i32
      %convert_element_type3A_288 = arith.extui %ge3A_287 : i1 to i32
      %cond3A_289 = arith.constant 0 : i32
      %cond3A_290 = arith.cmpi ne, %convert_element_type3A_288, %cond3A_289 : i32
      scf.if %cond3A_290 {
        %dma_wait3A_702 = arith.constant 6 : i32
        %dma_wait3A_703 = arith.constant 1 : i32
        %dma_wait3A_704 = arith.constant 0 : i32
        %dma_wait3A_705 = arith.constant 0 : i32
        %dma_wait3A_706 = tpu.memref_slice %arg6[%dma_wait3A_703, %dma_wait3A_704, %dma_wait3A_705] : memref<5x512x32xf32, #tpu.memory_space<vmem>> -> memref<1x512x32xf32, #tpu.memory_space<vmem>>
        %dma_wait3A_707 = tpu.memref_squeeze %dma_wait3A_706 : memref<1x512x32xf32, #tpu.memory_space<vmem>> -> memref<512x32xf32, #tpu.memory_space<vmem>>
        %dma_wait3A_708 = arith.constant 0 : i32
        %dma_wait3A_709 = tpu.memref_slice %arg5[%dma_wait3A_702, %dma_wait3A_708] : memref<10x512xi32, #tpu.memory_space<vmem>> -> memref<1x512xi32, #tpu.memory_space<vmem>>
        %dma_wait3A_710 = tpu.memref_squeeze %dma_wait3A_709 : memref<1x512xi32, #tpu.memory_space<vmem>> -> memref<512xi32, #tpu.memory_space<vmem>>
        %dma_wait3A_711 = arith.constant 0 : i32
        %dma_wait3A_712 = arith.constant 0 : i32
        %dma_wait3A_713 = tpu.memref_slice %arg3[%dma_wait3A_711, %dma_wait3A_712] : memref<1000000x32xf32, #tpu.memory_space<hbm>> -> memref<1000000x32xf32, #tpu.memory_space<hbm>>
        tpu.wait_indirect_dma semaphore(%arg18 : memref<!tpu.dma_semaphore, #tpu.memory_space<semaphore_mem>>) src(%dma_wait3A_713 : memref<1000000x32xf32, #tpu.memory_space<hbm>>) dst(%dma_wait3A_707 : memref<512x32xf32, #tpu.memory_space<vmem>>)
        %sub3A = arith.constant 5 : i32
        %sub3A_714 = arith.subi %add3A_259, %sub3A : i32
        %add3A_715 = arith.constant 1 : i32
        %add3A_716 = arith.addi %sub3A_714, %add3A_715 : i32
        %mul3A_717 = arith.constant 512 : i32
        %mul3A_718 = arith.muli %add3A_716, %mul3A_717 : i32
        %add3A_719 = arith.addi %mul3A_2, %mul3A_718 : i32
        %dma_start3A_720 = arith.constant 1 : i32
        %dma_start3A_721 = arith.constant 0 : i32
        %dma_start3A_722 = arith.constant 0 : i32
        %dma_start3A_723 = tpu.memref_slice %arg6[%dma_start3A_720, %dma_start3A_721, %dma_start3A_722] : memref<5x512x32xf32, #tpu.memory_space<vmem>> -> memref<1x512x32xf32, #tpu.memory_space<vmem>>
        %dma_start3A_724 = tpu.memref_squeeze %dma_start3A_723 : memref<1x512x32xf32, #tpu.memory_space<vmem>> -> memref<512x32xf32, #tpu.memory_space<vmem>>
        %dma_start3A_725 = arith.constant 0 : i32
        %dma_start3A_726 = tpu.memref_slice %arg4[%add3A_719, %dma_start3A_725] : memref<3276800x32xf32, #tpu.memory_space<hbm>> -> memref<512x32xf32, #tpu.memory_space<hbm>>
        %dma_start3A_727 = arith.constant 0 : i32
        %dma_start3A_728 = tpu.memref_slice %arg4[%add3A_719, %dma_start3A_727] : memref<3276800x32xf32, #tpu.memory_space<hbm>> -> memref<512x32xf32, #tpu.memory_space<hbm>>
        %dma_start3A_729 = arith.constant 0 : i32
        %dma_start3A_730 = arith.constant 0 : i32
        %dma_start3A_731 = tpu.memref_slice %arg6[%dma_start3A_720, %dma_start3A_729, %dma_start3A_730] : memref<5x512x32xf32, #tpu.memory_space<vmem>> -> memref<1x512x32xf32, #tpu.memory_space<vmem>>
        %dma_start3A_732 = tpu.memref_squeeze %dma_start3A_731 : memref<1x512x32xf32, #tpu.memory_space<vmem>> -> memref<512x32xf32, #tpu.memory_space<vmem>>
        tpu.enqueue_dma source(%dma_start3A_732 : memref<512x32xf32, #tpu.memory_space<vmem>>) target(%dma_start3A_728 : memref<512x32xf32, #tpu.memory_space<hbm>>) target_semaphore(%arg23 : memref<!tpu.dma_semaphore, #tpu.memory_space<semaphore_mem>>)
      } else {
      }
      %add3A_291 = arith.constant 6 : i32
      %add3A_292 = arith.addi %add3A_259, %add3A_291 : i32
      %lt3A = arith.constant 200 : i32
      %lt3A_293 = arith.cmpi slt, %add3A_292, %lt3A : i32
      %convert_element_type3A_294 = arith.extui %lt3A_293 : i1 to i32
      %cond3A_295 = arith.constant 0 : i32
      %cond3A_296 = arith.cmpi ne, %convert_element_type3A_294, %cond3A_295 : i32
      scf.if %cond3A_296 {
        %add3A_702 = arith.constant 6 : i32
        %add3A_703 = arith.addi %add3A_259, %add3A_702 : i32
        %mul3A_704 = arith.constant 512 : i32
        %mul3A_705 = arith.muli %add3A_703, %mul3A_704 : i32
        %add3A_706 = arith.addi %mul3A_2, %mul3A_705 : i32
        %dma_start3A_707 = arith.constant 6 : i32
        %dma_start3A_708 = arith.constant 0 : i32
        %dma_start3A_709 = tpu.memref_slice %arg5[%dma_start3A_707, %dma_start3A_708] : memref<10x512xi32, #tpu.memory_space<vmem>> -> memref<1x512xi32, #tpu.memory_space<vmem>>
        %dma_start3A_710 = tpu.memref_squeeze %dma_start3A_709 : memref<1x512xi32, #tpu.memory_space<vmem>> -> memref<512xi32, #tpu.memory_space<vmem>>
        %dma_start3A_711 = tpu.memref_slice %arg2[%add3A_706] : memref<3276800xi32, #tpu.memory_space<hbm>> -> memref<512xi32, #tpu.memory_space<hbm>>
        %dma_start3A_712 = arith.constant 0 : i32
        %dma_start3A_713 = tpu.memref_slice %arg5[%dma_start3A_707, %dma_start3A_712] : memref<10x512xi32, #tpu.memory_space<vmem>> -> memref<1x512xi32, #tpu.memory_space<vmem>>
        %dma_start3A_714 = tpu.memref_squeeze %dma_start3A_713 : memref<1x512xi32, #tpu.memory_space<vmem>> -> memref<512xi32, #tpu.memory_space<vmem>>
        %dma_start3A_715 = tpu.memref_slice %arg2[%add3A_706] : memref<3276800xi32, #tpu.memory_space<hbm>> -> memref<512xi32, #tpu.memory_space<hbm>>
        tpu.enqueue_dma source(%dma_start3A_715 : memref<512xi32, #tpu.memory_space<hbm>>) target(%dma_start3A_714 : memref<512xi32, #tpu.memory_space<vmem>>) target_semaphore(%arg13 : memref<!tpu.dma_semaphore, #tpu.memory_space<semaphore_mem>>)
      } else {
      }
      %mul3A_297 = arith.constant 10 : i32
      %mul3A_298 = arith.muli %scan3A_255, %mul3A_297 : i32
      %add3A_299 = arith.constant 1 : i32
      %add3A_300 = arith.addi %mul3A_298, %add3A_299 : i32
      %mul3A_301 = arith.constant 512 : i32
      %mul3A_302 = arith.muli %add3A_300, %mul3A_301 : i32
      %add3A_303 = arith.addi %mul3A_2, %mul3A_302 : i32
      %dma_wait3A_304 = arith.constant 1 : i32
      %dma_wait3A_305 = arith.constant 0 : i32
      %dma_wait3A_306 = tpu.memref_slice %arg5[%dma_wait3A_304, %dma_wait3A_305] : memref<10x512xi32, #tpu.memory_space<vmem>> -> memref<1x512xi32, #tpu.memory_space<vmem>>
      %dma_wait3A_307 = tpu.memref_squeeze %dma_wait3A_306 : memref<1x512xi32, #tpu.memory_space<vmem>> -> memref<512xi32, #tpu.memory_space<vmem>>
      %dma_wait3A_308 = tpu.memref_slice %arg2[%add3A_303] : memref<3276800xi32, #tpu.memory_space<hbm>> -> memref<512xi32, #tpu.memory_space<hbm>>
      %dma_wait3A_309 = arith.constant 0 : i32
      %dma_wait3A_310 = tpu.memref_slice %arg5[%dma_wait3A_304, %dma_wait3A_309] : memref<10x512xi32, #tpu.memory_space<vmem>> -> memref<1x512xi32, #tpu.memory_space<vmem>>
      %dma_wait3A_311 = tpu.memref_squeeze %dma_wait3A_310 : memref<1x512xi32, #tpu.memory_space<vmem>> -> memref<512xi32, #tpu.memory_space<vmem>>
      %dma_wait3A_312 = tpu.memref_slice %arg2[%add3A_303] : memref<3276800xi32, #tpu.memory_space<hbm>> -> memref<512xi32, #tpu.memory_space<hbm>>
      tpu.wait_dma2 semaphore(%arg8 : memref<!tpu.dma_semaphore, #tpu.memory_space<semaphore_mem>>) src(%dma_wait3A_312 : memref<512xi32, #tpu.memory_space<hbm>>) dst(%dma_wait3A_311 : memref<512xi32, #tpu.memory_space<vmem>>)
      %ge3A_313 = arith.constant 5 : i32
      %ge3A_314 = arith.cmpi sge, %add3A_300, %ge3A_313 : i32
      %convert_element_type3A_315 = arith.extui %ge3A_314 : i1 to i32
      %cond3A_316 = arith.constant 0 : i32
      %cond3A_317 = arith.cmpi ne, %convert_element_type3A_315, %cond3A_316 : i32
      scf.if %cond3A_317 {
        %sub3A = arith.constant 5 : i32
        %sub3A_702 = arith.subi %add3A_300, %sub3A : i32
        %mul3A_703 = arith.constant 512 : i32
        %mul3A_704 = arith.muli %sub3A_702, %mul3A_703 : i32
        %add3A_705 = arith.addi %mul3A_2, %mul3A_704 : i32
        %dma_wait3A_706 = arith.constant 1 : i32
        %dma_wait3A_707 = arith.constant 0 : i32
        %dma_wait3A_708 = arith.constant 0 : i32
        %dma_wait3A_709 = tpu.memref_slice %arg6[%dma_wait3A_706, %dma_wait3A_707, %dma_wait3A_708] : memref<5x512x32xf32, #tpu.memory_space<vmem>> -> memref<1x512x32xf32, #tpu.memory_space<vmem>>
        %dma_wait3A_710 = tpu.memref_squeeze %dma_wait3A_709 : memref<1x512x32xf32, #tpu.memory_space<vmem>> -> memref<512x32xf32, #tpu.memory_space<vmem>>
        %dma_wait3A_711 = arith.constant 0 : i32
        %dma_wait3A_712 = tpu.memref_slice %arg4[%add3A_705, %dma_wait3A_711] : memref<3276800x32xf32, #tpu.memory_space<hbm>> -> memref<512x32xf32, #tpu.memory_space<hbm>>
        %dma_wait3A_713 = arith.constant 0 : i32
        %dma_wait3A_714 = tpu.memref_slice %arg4[%add3A_705, %dma_wait3A_713] : memref<3276800x32xf32, #tpu.memory_space<hbm>> -> memref<512x32xf32, #tpu.memory_space<hbm>>
        %dma_wait3A_715 = arith.constant 0 : i32
        %dma_wait3A_716 = arith.constant 0 : i32
        %dma_wait3A_717 = tpu.memref_slice %arg6[%dma_wait3A_706, %dma_wait3A_715, %dma_wait3A_716] : memref<5x512x32xf32, #tpu.memory_space<vmem>> -> memref<1x512x32xf32, #tpu.memory_space<vmem>>
        %dma_wait3A_718 = tpu.memref_squeeze %dma_wait3A_717 : memref<1x512x32xf32, #tpu.memory_space<vmem>> -> memref<512x32xf32, #tpu.memory_space<vmem>>
        tpu.wait_dma2 semaphore(%arg23 : memref<!tpu.dma_semaphore, #tpu.memory_space<semaphore_mem>>) src(%dma_wait3A_718 : memref<512x32xf32, #tpu.memory_space<vmem>>) dst(%dma_wait3A_714 : memref<512x32xf32, #tpu.memory_space<hbm>>)
      } else {
      }
      %dma_start3A_318 = arith.constant 1 : i32
      %dma_start3A_319 = arith.constant 1 : i32
      %dma_start3A_320 = arith.constant 0 : i32
      %dma_start3A_321 = arith.constant 0 : i32
      %dma_start3A_322 = tpu.memref_slice %arg6[%dma_start3A_319, %dma_start3A_320, %dma_start3A_321] : memref<5x512x32xf32, #tpu.memory_space<vmem>> -> memref<1x512x32xf32, #tpu.memory_space<vmem>>
      %dma_start3A_323 = tpu.memref_squeeze %dma_start3A_322 : memref<1x512x32xf32, #tpu.memory_space<vmem>> -> memref<512x32xf32, #tpu.memory_space<vmem>>
      %dma_start3A_324 = arith.constant 0 : i32
      %dma_start3A_325 = tpu.memref_slice %arg5[%dma_start3A_318, %dma_start3A_324] : memref<10x512xi32, #tpu.memory_space<vmem>> -> memref<1x512xi32, #tpu.memory_space<vmem>>
      %dma_start3A_326 = tpu.memref_squeeze %dma_start3A_325 : memref<1x512xi32, #tpu.memory_space<vmem>> -> memref<512xi32, #tpu.memory_space<vmem>>
      %dma_start3A_327 = arith.constant 0 : i32
      %dma_start3A_328 = arith.constant 0 : i32
      %dma_start3A_329 = tpu.memref_slice %arg3[%dma_start3A_327, %dma_start3A_328] : memref<1000000x32xf32, #tpu.memory_space<hbm>> -> memref<1000000x32xf32, #tpu.memory_space<hbm>>
      tpu.enqueue_indirect_dma source(%dma_start3A_329 : memref<1000000x32xf32, #tpu.memory_space<hbm>>) target(%dma_start3A_323 : memref<512x32xf32, #tpu.memory_space<vmem>>) offsets(%dma_start3A_326 : memref<512xi32, #tpu.memory_space<vmem>>) semaphore(%arg18 : memref<!tpu.dma_semaphore, #tpu.memory_space<semaphore_mem>>)
      %ge3A_330 = arith.constant 4 : i32
      %ge3A_331 = arith.cmpi sge, %add3A_300, %ge3A_330 : i32
      %convert_element_type3A_332 = arith.extui %ge3A_331 : i1 to i32
      %cond3A_333 = arith.constant 0 : i32
      %cond3A_334 = arith.cmpi ne, %convert_element_type3A_332, %cond3A_333 : i32
      scf.if %cond3A_334 {
        %dma_wait3A_702 = arith.constant 7 : i32
        %dma_wait3A_703 = arith.constant 2 : i32
        %dma_wait3A_704 = arith.constant 0 : i32
        %dma_wait3A_705 = arith.constant 0 : i32
        %dma_wait3A_706 = tpu.memref_slice %arg6[%dma_wait3A_703, %dma_wait3A_704, %dma_wait3A_705] : memref<5x512x32xf32, #tpu.memory_space<vmem>> -> memref<1x512x32xf32, #tpu.memory_space<vmem>>
        %dma_wait3A_707 = tpu.memref_squeeze %dma_wait3A_706 : memref<1x512x32xf32, #tpu.memory_space<vmem>> -> memref<512x32xf32, #tpu.memory_space<vmem>>
        %dma_wait3A_708 = arith.constant 0 : i32
        %dma_wait3A_709 = tpu.memref_slice %arg5[%dma_wait3A_702, %dma_wait3A_708] : memref<10x512xi32, #tpu.memory_space<vmem>> -> memref<1x512xi32, #tpu.memory_space<vmem>>
        %dma_wait3A_710 = tpu.memref_squeeze %dma_wait3A_709 : memref<1x512xi32, #tpu.memory_space<vmem>> -> memref<512xi32, #tpu.memory_space<vmem>>
        %dma_wait3A_711 = arith.constant 0 : i32
        %dma_wait3A_712 = arith.constant 0 : i32
        %dma_wait3A_713 = tpu.memref_slice %arg3[%dma_wait3A_711, %dma_wait3A_712] : memref<1000000x32xf32, #tpu.memory_space<hbm>> -> memref<1000000x32xf32, #tpu.memory_space<hbm>>
        tpu.wait_indirect_dma semaphore(%arg19 : memref<!tpu.dma_semaphore, #tpu.memory_space<semaphore_mem>>) src(%dma_wait3A_713 : memref<1000000x32xf32, #tpu.memory_space<hbm>>) dst(%dma_wait3A_707 : memref<512x32xf32, #tpu.memory_space<vmem>>)
        %sub3A = arith.constant 5 : i32
        %sub3A_714 = arith.subi %add3A_300, %sub3A : i32
        %add3A_715 = arith.constant 1 : i32
        %add3A_716 = arith.addi %sub3A_714, %add3A_715 : i32
        %mul3A_717 = arith.constant 512 : i32
        %mul3A_718 = arith.muli %add3A_716, %mul3A_717 : i32
        %add3A_719 = arith.addi %mul3A_2, %mul3A_718 : i32
        %dma_start3A_720 = arith.constant 2 : i32
        %dma_start3A_721 = arith.constant 0 : i32
        %dma_start3A_722 = arith.constant 0 : i32
        %dma_start3A_723 = tpu.memref_slice %arg6[%dma_start3A_720, %dma_start3A_721, %dma_start3A_722] : memref<5x512x32xf32, #tpu.memory_space<vmem>> -> memref<1x512x32xf32, #tpu.memory_space<vmem>>
        %dma_start3A_724 = tpu.memref_squeeze %dma_start3A_723 : memref<1x512x32xf32, #tpu.memory_space<vmem>> -> memref<512x32xf32, #tpu.memory_space<vmem>>
        %dma_start3A_725 = arith.constant 0 : i32
        %dma_start3A_726 = tpu.memref_slice %arg4[%add3A_719, %dma_start3A_725] : memref<3276800x32xf32, #tpu.memory_space<hbm>> -> memref<512x32xf32, #tpu.memory_space<hbm>>
        %dma_start3A_727 = arith.constant 0 : i32
        %dma_start3A_728 = tpu.memref_slice %arg4[%add3A_719, %dma_start3A_727] : memref<3276800x32xf32, #tpu.memory_space<hbm>> -> memref<512x32xf32, #tpu.memory_space<hbm>>
        %dma_start3A_729 = arith.constant 0 : i32
        %dma_start3A_730 = arith.constant 0 : i32
        %dma_start3A_731 = tpu.memref_slice %arg6[%dma_start3A_720, %dma_start3A_729, %dma_start3A_730] : memref<5x512x32xf32, #tpu.memory_space<vmem>> -> memref<1x512x32xf32, #tpu.memory_space<vmem>>
        %dma_start3A_732 = tpu.memref_squeeze %dma_start3A_731 : memref<1x512x32xf32, #tpu.memory_space<vmem>> -> memref<512x32xf32, #tpu.memory_space<vmem>>
        tpu.enqueue_dma source(%dma_start3A_732 : memref<512x32xf32, #tpu.memory_space<vmem>>) target(%dma_start3A_728 : memref<512x32xf32, #tpu.memory_space<hbm>>) target_semaphore(%arg24 : memref<!tpu.dma_semaphore, #tpu.memory_space<semaphore_mem>>)
      } else {
      }
      %add3A_335 = arith.constant 6 : i32
      %add3A_336 = arith.addi %add3A_300, %add3A_335 : i32
      %lt3A_337 = arith.constant 200 : i32
      %lt3A_338 = arith.cmpi slt, %add3A_336, %lt3A_337 : i32
      %convert_element_type3A_339 = arith.extui %lt3A_338 : i1 to i32
      %cond3A_340 = arith.constant 0 : i32
      %cond3A_341 = arith.cmpi ne, %convert_element_type3A_339, %cond3A_340 : i32
      scf.if %cond3A_341 {
        %add3A_702 = arith.constant 6 : i32
        %add3A_703 = arith.addi %add3A_300, %add3A_702 : i32
        %mul3A_704 = arith.constant 512 : i32
        %mul3A_705 = arith.muli %add3A_703, %mul3A_704 : i32
        %add3A_706 = arith.addi %mul3A_2, %mul3A_705 : i32
        %dma_start3A_707 = arith.constant 7 : i32
        %dma_start3A_708 = arith.constant 0 : i32
        %dma_start3A_709 = tpu.memref_slice %arg5[%dma_start3A_707, %dma_start3A_708] : memref<10x512xi32, #tpu.memory_space<vmem>> -> memref<1x512xi32, #tpu.memory_space<vmem>>
        %dma_start3A_710 = tpu.memref_squeeze %dma_start3A_709 : memref<1x512xi32, #tpu.memory_space<vmem>> -> memref<512xi32, #tpu.memory_space<vmem>>
        %dma_start3A_711 = tpu.memref_slice %arg2[%add3A_706] : memref<3276800xi32, #tpu.memory_space<hbm>> -> memref<512xi32, #tpu.memory_space<hbm>>
        %dma_start3A_712 = arith.constant 0 : i32
        %dma_start3A_713 = tpu.memref_slice %arg5[%dma_start3A_707, %dma_start3A_712] : memref<10x512xi32, #tpu.memory_space<vmem>> -> memref<1x512xi32, #tpu.memory_space<vmem>>
        %dma_start3A_714 = tpu.memref_squeeze %dma_start3A_713 : memref<1x512xi32, #tpu.memory_space<vmem>> -> memref<512xi32, #tpu.memory_space<vmem>>
        %dma_start3A_715 = tpu.memref_slice %arg2[%add3A_706] : memref<3276800xi32, #tpu.memory_space<hbm>> -> memref<512xi32, #tpu.memory_space<hbm>>
        tpu.enqueue_dma source(%dma_start3A_715 : memref<512xi32, #tpu.memory_space<hbm>>) target(%dma_start3A_714 : memref<512xi32, #tpu.memory_space<vmem>>) target_semaphore(%arg14 : memref<!tpu.dma_semaphore, #tpu.memory_space<semaphore_mem>>)
      } else {
      }
      %mul3A_342 = arith.constant 10 : i32
      %mul3A_343 = arith.muli %scan3A_255, %mul3A_342 : i32
      %add3A_344 = arith.constant 2 : i32
      %add3A_345 = arith.addi %mul3A_343, %add3A_344 : i32
      %mul3A_346 = arith.constant 512 : i32
      %mul3A_347 = arith.muli %add3A_345, %mul3A_346 : i32
      %add3A_348 = arith.addi %mul3A_2, %mul3A_347 : i32
      %dma_wait3A_349 = arith.constant 2 : i32
      %dma_wait3A_350 = arith.constant 0 : i32
      %dma_wait3A_351 = tpu.memref_slice %arg5[%dma_wait3A_349, %dma_wait3A_350] : memref<10x512xi32, #tpu.memory_space<vmem>> -> memref<1x512xi32, #tpu.memory_space<vmem>>
      %dma_wait3A_352 = tpu.memref_squeeze %dma_wait3A_351 : memref<1x512xi32, #tpu.memory_space<vmem>> -> memref<512xi32, #tpu.memory_space<vmem>>
      %dma_wait3A_353 = tpu.memref_slice %arg2[%add3A_348] : memref<3276800xi32, #tpu.memory_space<hbm>> -> memref<512xi32, #tpu.memory_space<hbm>>
      %dma_wait3A_354 = arith.constant 0 : i32
      %dma_wait3A_355 = tpu.memref_slice %arg5[%dma_wait3A_349, %dma_wait3A_354] : memref<10x512xi32, #tpu.memory_space<vmem>> -> memref<1x512xi32, #tpu.memory_space<vmem>>
      %dma_wait3A_356 = tpu.memref_squeeze %dma_wait3A_355 : memref<1x512xi32, #tpu.memory_space<vmem>> -> memref<512xi32, #tpu.memory_space<vmem>>
      %dma_wait3A_357 = tpu.memref_slice %arg2[%add3A_348] : memref<3276800xi32, #tpu.memory_space<hbm>> -> memref<512xi32, #tpu.memory_space<hbm>>
      tpu.wait_dma2 semaphore(%arg9 : memref<!tpu.dma_semaphore, #tpu.memory_space<semaphore_mem>>) src(%dma_wait3A_357 : memref<512xi32, #tpu.memory_space<hbm>>) dst(%dma_wait3A_356 : memref<512xi32, #tpu.memory_space<vmem>>)
      %ge3A_358 = arith.constant 5 : i32
      %ge3A_359 = arith.cmpi sge, %add3A_345, %ge3A_358 : i32
      %convert_element_type3A_360 = arith.extui %ge3A_359 : i1 to i32
      %cond3A_361 = arith.constant 0 : i32
      %cond3A_362 = arith.cmpi ne, %convert_element_type3A_360, %cond3A_361 : i32
      scf.if %cond3A_362 {
        %sub3A = arith.constant 5 : i32
        %sub3A_702 = arith.subi %add3A_345, %sub3A : i32
        %mul3A_703 = arith.constant 512 : i32
        %mul3A_704 = arith.muli %sub3A_702, %mul3A_703 : i32
        %add3A_705 = arith.addi %mul3A_2, %mul3A_704 : i32
        %dma_wait3A_706 = arith.constant 2 : i32
        %dma_wait3A_707 = arith.constant 0 : i32
        %dma_wait3A_708 = arith.constant 0 : i32
        %dma_wait3A_709 = tpu.memref_slice %arg6[%dma_wait3A_706, %dma_wait3A_707, %dma_wait3A_708] : memref<5x512x32xf32, #tpu.memory_space<vmem>> -> memref<1x512x32xf32, #tpu.memory_space<vmem>>
        %dma_wait3A_710 = tpu.memref_squeeze %dma_wait3A_709 : memref<1x512x32xf32, #tpu.memory_space<vmem>> -> memref<512x32xf32, #tpu.memory_space<vmem>>
        %dma_wait3A_711 = arith.constant 0 : i32
        %dma_wait3A_712 = tpu.memref_slice %arg4[%add3A_705, %dma_wait3A_711] : memref<3276800x32xf32, #tpu.memory_space<hbm>> -> memref<512x32xf32, #tpu.memory_space<hbm>>
        %dma_wait3A_713 = arith.constant 0 : i32
        %dma_wait3A_714 = tpu.memref_slice %arg4[%add3A_705, %dma_wait3A_713] : memref<3276800x32xf32, #tpu.memory_space<hbm>> -> memref<512x32xf32, #tpu.memory_space<hbm>>
        %dma_wait3A_715 = arith.constant 0 : i32
        %dma_wait3A_716 = arith.constant 0 : i32
        %dma_wait3A_717 = tpu.memref_slice %arg6[%dma_wait3A_706, %dma_wait3A_715, %dma_wait3A_716] : memref<5x512x32xf32, #tpu.memory_space<vmem>> -> memref<1x512x32xf32, #tpu.memory_space<vmem>>
        %dma_wait3A_718 = tpu.memref_squeeze %dma_wait3A_717 : memref<1x512x32xf32, #tpu.memory_space<vmem>> -> memref<512x32xf32, #tpu.memory_space<vmem>>
        tpu.wait_dma2 semaphore(%arg24 : memref<!tpu.dma_semaphore, #tpu.memory_space<semaphore_mem>>) src(%dma_wait3A_718 : memref<512x32xf32, #tpu.memory_space<vmem>>) dst(%dma_wait3A_714 : memref<512x32xf32, #tpu.memory_space<hbm>>)
      } else {
      }
      %dma_start3A_363 = arith.constant 2 : i32
      %dma_start3A_364 = arith.constant 2 : i32
      %dma_start3A_365 = arith.constant 0 : i32
      %dma_start3A_366 = arith.constant 0 : i32
      %dma_start3A_367 = tpu.memref_slice %arg6[%dma_start3A_364, %dma_start3A_365, %dma_start3A_366] : memref<5x512x32xf32, #tpu.memory_space<vmem>> -> memref<1x512x32xf32, #tpu.memory_space<vmem>>
      %dma_start3A_368 = tpu.memref_squeeze %dma_start3A_367 : memref<1x512x32xf32, #tpu.memory_space<vmem>> -> memref<512x32xf32, #tpu.memory_space<vmem>>
      %dma_start3A_369 = arith.constant 0 : i32
      %dma_start3A_370 = tpu.memref_slice %arg5[%dma_start3A_363, %dma_start3A_369] : memref<10x512xi32, #tpu.memory_space<vmem>> -> memref<1x512xi32, #tpu.memory_space<vmem>>
      %dma_start3A_371 = tpu.memref_squeeze %dma_start3A_370 : memref<1x512xi32, #tpu.memory_space<vmem>> -> memref<512xi32, #tpu.memory_space<vmem>>
      %dma_start3A_372 = arith.constant 0 : i32
      %dma_start3A_373 = arith.constant 0 : i32
      %dma_start3A_374 = tpu.memref_slice %arg3[%dma_start3A_372, %dma_start3A_373] : memref<1000000x32xf32, #tpu.memory_space<hbm>> -> memref<1000000x32xf32, #tpu.memory_space<hbm>>
      tpu.enqueue_indirect_dma source(%dma_start3A_374 : memref<1000000x32xf32, #tpu.memory_space<hbm>>) target(%dma_start3A_368 : memref<512x32xf32, #tpu.memory_space<vmem>>) offsets(%dma_start3A_371 : memref<512xi32, #tpu.memory_space<vmem>>) semaphore(%arg19 : memref<!tpu.dma_semaphore, #tpu.memory_space<semaphore_mem>>)
      %ge3A_375 = arith.constant 4 : i32
      %ge3A_376 = arith.cmpi sge, %add3A_345, %ge3A_375 : i32
      %convert_element_type3A_377 = arith.extui %ge3A_376 : i1 to i32
      %cond3A_378 = arith.constant 0 : i32
      %cond3A_379 = arith.cmpi ne, %convert_element_type3A_377, %cond3A_378 : i32
      scf.if %cond3A_379 {
        %dma_wait3A_702 = arith.constant 8 : i32
        %dma_wait3A_703 = arith.constant 3 : i32
        %dma_wait3A_704 = arith.constant 0 : i32
        %dma_wait3A_705 = arith.constant 0 : i32
        %dma_wait3A_706 = tpu.memref_slice %arg6[%dma_wait3A_703, %dma_wait3A_704, %dma_wait3A_705] : memref<5x512x32xf32, #tpu.memory_space<vmem>> -> memref<1x512x32xf32, #tpu.memory_space<vmem>>
        %dma_wait3A_707 = tpu.memref_squeeze %dma_wait3A_706 : memref<1x512x32xf32, #tpu.memory_space<vmem>> -> memref<512x32xf32, #tpu.memory_space<vmem>>
        %dma_wait3A_708 = arith.constant 0 : i32
        %dma_wait3A_709 = tpu.memref_slice %arg5[%dma_wait3A_702, %dma_wait3A_708] : memref<10x512xi32, #tpu.memory_space<vmem>> -> memref<1x512xi32, #tpu.memory_space<vmem>>
        %dma_wait3A_710 = tpu.memref_squeeze %dma_wait3A_709 : memref<1x512xi32, #tpu.memory_space<vmem>> -> memref<512xi32, #tpu.memory_space<vmem>>
        %dma_wait3A_711 = arith.constant 0 : i32
        %dma_wait3A_712 = arith.constant 0 : i32
        %dma_wait3A_713 = tpu.memref_slice %arg3[%dma_wait3A_711, %dma_wait3A_712] : memref<1000000x32xf32, #tpu.memory_space<hbm>> -> memref<1000000x32xf32, #tpu.memory_space<hbm>>
        tpu.wait_indirect_dma semaphore(%arg20 : memref<!tpu.dma_semaphore, #tpu.memory_space<semaphore_mem>>) src(%dma_wait3A_713 : memref<1000000x32xf32, #tpu.memory_space<hbm>>) dst(%dma_wait3A_707 : memref<512x32xf32, #tpu.memory_space<vmem>>)
        %sub3A = arith.constant 5 : i32
        %sub3A_714 = arith.subi %add3A_345, %sub3A : i32
        %add3A_715 = arith.constant 1 : i32
        %add3A_716 = arith.addi %sub3A_714, %add3A_715 : i32
        %mul3A_717 = arith.constant 512 : i32
        %mul3A_718 = arith.muli %add3A_716, %mul3A_717 : i32
        %add3A_719 = arith.addi %mul3A_2, %mul3A_718 : i32
        %dma_start3A_720 = arith.constant 3 : i32
        %dma_start3A_721 = arith.constant 0 : i32
        %dma_start3A_722 = arith.constant 0 : i32
        %dma_start3A_723 = tpu.memref_slice %arg6[%dma_start3A_720, %dma_start3A_721, %dma_start3A_722] : memref<5x512x32xf32, #tpu.memory_space<vmem>> -> memref<1x512x32xf32, #tpu.memory_space<vmem>>
        %dma_start3A_724 = tpu.memref_squeeze %dma_start3A_723 : memref<1x512x32xf32, #tpu.memory_space<vmem>> -> memref<512x32xf32, #tpu.memory_space<vmem>>
        %dma_start3A_725 = arith.constant 0 : i32
        %dma_start3A_726 = tpu.memref_slice %arg4[%add3A_719, %dma_start3A_725] : memref<3276800x32xf32, #tpu.memory_space<hbm>> -> memref<512x32xf32, #tpu.memory_space<hbm>>
        %dma_start3A_727 = arith.constant 0 : i32
        %dma_start3A_728 = tpu.memref_slice %arg4[%add3A_719, %dma_start3A_727] : memref<3276800x32xf32, #tpu.memory_space<hbm>> -> memref<512x32xf32, #tpu.memory_space<hbm>>
        %dma_start3A_729 = arith.constant 0 : i32
        %dma_start3A_730 = arith.constant 0 : i32
        %dma_start3A_731 = tpu.memref_slice %arg6[%dma_start3A_720, %dma_start3A_729, %dma_start3A_730] : memref<5x512x32xf32, #tpu.memory_space<vmem>> -> memref<1x512x32xf32, #tpu.memory_space<vmem>>
        %dma_start3A_732 = tpu.memref_squeeze %dma_start3A_731 : memref<1x512x32xf32, #tpu.memory_space<vmem>> -> memref<512x32xf32, #tpu.memory_space<vmem>>
        tpu.enqueue_dma source(%dma_start3A_732 : memref<512x32xf32, #tpu.memory_space<vmem>>) target(%dma_start3A_728 : memref<512x32xf32, #tpu.memory_space<hbm>>) target_semaphore(%arg25 : memref<!tpu.dma_semaphore, #tpu.memory_space<semaphore_mem>>)
      } else {
      }
      %add3A_380 = arith.constant 6 : i32
      %add3A_381 = arith.addi %add3A_345, %add3A_380 : i32
      %lt3A_382 = arith.constant 200 : i32
      %lt3A_383 = arith.cmpi slt, %add3A_381, %lt3A_382 : i32
      %convert_element_type3A_384 = arith.extui %lt3A_383 : i1 to i32
      %cond3A_385 = arith.constant 0 : i32
      %cond3A_386 = arith.cmpi ne, %convert_element_type3A_384, %cond3A_385 : i32
      scf.if %cond3A_386 {
        %add3A_702 = arith.constant 6 : i32
        %add3A_703 = arith.addi %add3A_345, %add3A_702 : i32
        %mul3A_704 = arith.constant 512 : i32
        %mul3A_705 = arith.muli %add3A_703, %mul3A_704 : i32
        %add3A_706 = arith.addi %mul3A_2, %mul3A_705 : i32
        %dma_start3A_707 = arith.constant 8 : i32
        %dma_start3A_708 = arith.constant 0 : i32
        %dma_start3A_709 = tpu.memref_slice %arg5[%dma_start3A_707, %dma_start3A_708] : memref<10x512xi32, #tpu.memory_space<vmem>> -> memref<1x512xi32, #tpu.memory_space<vmem>>
        %dma_start3A_710 = tpu.memref_squeeze %dma_start3A_709 : memref<1x512xi32, #tpu.memory_space<vmem>> -> memref<512xi32, #tpu.memory_space<vmem>>
        %dma_start3A_711 = tpu.memref_slice %arg2[%add3A_706] : memref<3276800xi32, #tpu.memory_space<hbm>> -> memref<512xi32, #tpu.memory_space<hbm>>
        %dma_start3A_712 = arith.constant 0 : i32
        %dma_start3A_713 = tpu.memref_slice %arg5[%dma_start3A_707, %dma_start3A_712] : memref<10x512xi32, #tpu.memory_space<vmem>> -> memref<1x512xi32, #tpu.memory_space<vmem>>
        %dma_start3A_714 = tpu.memref_squeeze %dma_start3A_713 : memref<1x512xi32, #tpu.memory_space<vmem>> -> memref<512xi32, #tpu.memory_space<vmem>>
        %dma_start3A_715 = tpu.memref_slice %arg2[%add3A_706] : memref<3276800xi32, #tpu.memory_space<hbm>> -> memref<512xi32, #tpu.memory_space<hbm>>
        tpu.enqueue_dma source(%dma_start3A_715 : memref<512xi32, #tpu.memory_space<hbm>>) target(%dma_start3A_714 : memref<512xi32, #tpu.memory_space<vmem>>) target_semaphore(%arg15 : memref<!tpu.dma_semaphore, #tpu.memory_space<semaphore_mem>>)
      } else {
      }
      %mul3A_387 = arith.constant 10 : i32
      %mul3A_388 = arith.muli %scan3A_255, %mul3A_387 : i32
      %add3A_389 = arith.constant 3 : i32
      %add3A_390 = arith.addi %mul3A_388, %add3A_389 : i32
      %mul3A_391 = arith.constant 512 : i32
      %mul3A_392 = arith.muli %add3A_390, %mul3A_391 : i32
      %add3A_393 = arith.addi %mul3A_2, %mul3A_392 : i32
      %dma_wait3A_394 = arith.constant 3 : i32
      %dma_wait3A_395 = arith.constant 0 : i32
      %dma_wait3A_396 = tpu.memref_slice %arg5[%dma_wait3A_394, %dma_wait3A_395] : memref<10x512xi32, #tpu.memory_space<vmem>> -> memref<1x512xi32, #tpu.memory_space<vmem>>
      %dma_wait3A_397 = tpu.memref_squeeze %dma_wait3A_396 : memref<1x512xi32, #tpu.memory_space<vmem>> -> memref<512xi32, #tpu.memory_space<vmem>>
      %dma_wait3A_398 = tpu.memref_slice %arg2[%add3A_393] : memref<3276800xi32, #tpu.memory_space<hbm>> -> memref<512xi32, #tpu.memory_space<hbm>>
      %dma_wait3A_399 = arith.constant 0 : i32
      %dma_wait3A_400 = tpu.memref_slice %arg5[%dma_wait3A_394, %dma_wait3A_399] : memref<10x512xi32, #tpu.memory_space<vmem>> -> memref<1x512xi32, #tpu.memory_space<vmem>>
      %dma_wait3A_401 = tpu.memref_squeeze %dma_wait3A_400 : memref<1x512xi32, #tpu.memory_space<vmem>> -> memref<512xi32, #tpu.memory_space<vmem>>
      %dma_wait3A_402 = tpu.memref_slice %arg2[%add3A_393] : memref<3276800xi32, #tpu.memory_space<hbm>> -> memref<512xi32, #tpu.memory_space<hbm>>
      tpu.wait_dma2 semaphore(%arg10 : memref<!tpu.dma_semaphore, #tpu.memory_space<semaphore_mem>>) src(%dma_wait3A_402 : memref<512xi32, #tpu.memory_space<hbm>>) dst(%dma_wait3A_401 : memref<512xi32, #tpu.memory_space<vmem>>)
      %ge3A_403 = arith.constant 5 : i32
      %ge3A_404 = arith.cmpi sge, %add3A_390, %ge3A_403 : i32
      %convert_element_type3A_405 = arith.extui %ge3A_404 : i1 to i32
      %cond3A_406 = arith.constant 0 : i32
      %cond3A_407 = arith.cmpi ne, %convert_element_type3A_405, %cond3A_406 : i32
      scf.if %cond3A_407 {
        %sub3A = arith.constant 5 : i32
        %sub3A_702 = arith.subi %add3A_390, %sub3A : i32
        %mul3A_703 = arith.constant 512 : i32
        %mul3A_704 = arith.muli %sub3A_702, %mul3A_703 : i32
        %add3A_705 = arith.addi %mul3A_2, %mul3A_704 : i32
        %dma_wait3A_706 = arith.constant 3 : i32
        %dma_wait3A_707 = arith.constant 0 : i32
        %dma_wait3A_708 = arith.constant 0 : i32
        %dma_wait3A_709 = tpu.memref_slice %arg6[%dma_wait3A_706, %dma_wait3A_707, %dma_wait3A_708] : memref<5x512x32xf32, #tpu.memory_space<vmem>> -> memref<1x512x32xf32, #tpu.memory_space<vmem>>
        %dma_wait3A_710 = tpu.memref_squeeze %dma_wait3A_709 : memref<1x512x32xf32, #tpu.memory_space<vmem>> -> memref<512x32xf32, #tpu.memory_space<vmem>>
        %dma_wait3A_711 = arith.constant 0 : i32
        %dma_wait3A_712 = tpu.memref_slice %arg4[%add3A_705, %dma_wait3A_711] : memref<3276800x32xf32, #tpu.memory_space<hbm>> -> memref<512x32xf32, #tpu.memory_space<hbm>>
        %dma_wait3A_713 = arith.constant 0 : i32
        %dma_wait3A_714 = tpu.memref_slice %arg4[%add3A_705, %dma_wait3A_713] : memref<3276800x32xf32, #tpu.memory_space<hbm>> -> memref<512x32xf32, #tpu.memory_space<hbm>>
        %dma_wait3A_715 = arith.constant 0 : i32
        %dma_wait3A_716 = arith.constant 0 : i32
        %dma_wait3A_717 = tpu.memref_slice %arg6[%dma_wait3A_706, %dma_wait3A_715, %dma_wait3A_716] : memref<5x512x32xf32, #tpu.memory_space<vmem>> -> memref<1x512x32xf32, #tpu.memory_space<vmem>>
        %dma_wait3A_718 = tpu.memref_squeeze %dma_wait3A_717 : memref<1x512x32xf32, #tpu.memory_space<vmem>> -> memref<512x32xf32, #tpu.memory_space<vmem>>
        tpu.wait_dma2 semaphore(%arg25 : memref<!tpu.dma_semaphore, #tpu.memory_space<semaphore_mem>>) src(%dma_wait3A_718 : memref<512x32xf32, #tpu.memory_space<vmem>>) dst(%dma_wait3A_714 : memref<512x32xf32, #tpu.memory_space<hbm>>)
      } else {
      }
      %dma_start3A_408 = arith.constant 3 : i32
      %dma_start3A_409 = arith.constant 3 : i32
      %dma_start3A_410 = arith.constant 0 : i32
      %dma_start3A_411 = arith.constant 0 : i32
      %dma_start3A_412 = tpu.memref_slice %arg6[%dma_start3A_409, %dma_start3A_410, %dma_start3A_411] : memref<5x512x32xf32, #tpu.memory_space<vmem>> -> memref<1x512x32xf32, #tpu.memory_space<vmem>>
      %dma_start3A_413 = tpu.memref_squeeze %dma_start3A_412 : memref<1x512x32xf32, #tpu.memory_space<vmem>> -> memref<512x32xf32, #tpu.memory_space<vmem>>
      %dma_start3A_414 = arith.constant 0 : i32
      %dma_start3A_415 = tpu.memref_slice %arg5[%dma_start3A_408, %dma_start3A_414] : memref<10x512xi32, #tpu.memory_space<vmem>> -> memref<1x512xi32, #tpu.memory_space<vmem>>
      %dma_start3A_416 = tpu.memref_squeeze %dma_start3A_415 : memref<1x512xi32, #tpu.memory_space<vmem>> -> memref<512xi32, #tpu.memory_space<vmem>>
      %dma_start3A_417 = arith.constant 0 : i32
      %dma_start3A_418 = arith.constant 0 : i32
      %dma_start3A_419 = tpu.memref_slice %arg3[%dma_start3A_417, %dma_start3A_418] : memref<1000000x32xf32, #tpu.memory_space<hbm>> -> memref<1000000x32xf32, #tpu.memory_space<hbm>>
      tpu.enqueue_indirect_dma source(%dma_start3A_419 : memref<1000000x32xf32, #tpu.memory_space<hbm>>) target(%dma_start3A_413 : memref<512x32xf32, #tpu.memory_space<vmem>>) offsets(%dma_start3A_416 : memref<512xi32, #tpu.memory_space<vmem>>) semaphore(%arg20 : memref<!tpu.dma_semaphore, #tpu.memory_space<semaphore_mem>>)
      %ge3A_420 = arith.constant 4 : i32
      %ge3A_421 = arith.cmpi sge, %add3A_390, %ge3A_420 : i32
      %convert_element_type3A_422 = arith.extui %ge3A_421 : i1 to i32
      %cond3A_423 = arith.constant 0 : i32
      %cond3A_424 = arith.cmpi ne, %convert_element_type3A_422, %cond3A_423 : i32
      scf.if %cond3A_424 {
        %dma_wait3A_702 = arith.constant 9 : i32
        %dma_wait3A_703 = arith.constant 4 : i32
        %dma_wait3A_704 = arith.constant 0 : i32
        %dma_wait3A_705 = arith.constant 0 : i32
        %dma_wait3A_706 = tpu.memref_slice %arg6[%dma_wait3A_703, %dma_wait3A_704, %dma_wait3A_705] : memref<5x512x32xf32, #tpu.memory_space<vmem>> -> memref<1x512x32xf32, #tpu.memory_space<vmem>>
        %dma_wait3A_707 = tpu.memref_squeeze %dma_wait3A_706 : memref<1x512x32xf32, #tpu.memory_space<vmem>> -> memref<512x32xf32, #tpu.memory_space<vmem>>
        %dma_wait3A_708 = arith.constant 0 : i32
        %dma_wait3A_709 = tpu.memref_slice %arg5[%dma_wait3A_702, %dma_wait3A_708] : memref<10x512xi32, #tpu.memory_space<vmem>> -> memref<1x512xi32, #tpu.memory_space<vmem>>
        %dma_wait3A_710 = tpu.memref_squeeze %dma_wait3A_709 : memref<1x512xi32, #tpu.memory_space<vmem>> -> memref<512xi32, #tpu.memory_space<vmem>>
        %dma_wait3A_711 = arith.constant 0 : i32
        %dma_wait3A_712 = arith.constant 0 : i32
        %dma_wait3A_713 = tpu.memref_slice %arg3[%dma_wait3A_711, %dma_wait3A_712] : memref<1000000x32xf32, #tpu.memory_space<hbm>> -> memref<1000000x32xf32, #tpu.memory_space<hbm>>
        tpu.wait_indirect_dma semaphore(%arg21 : memref<!tpu.dma_semaphore, #tpu.memory_space<semaphore_mem>>) src(%dma_wait3A_713 : memref<1000000x32xf32, #tpu.memory_space<hbm>>) dst(%dma_wait3A_707 : memref<512x32xf32, #tpu.memory_space<vmem>>)
        %sub3A = arith.constant 5 : i32
        %sub3A_714 = arith.subi %add3A_390, %sub3A : i32
        %add3A_715 = arith.constant 1 : i32
        %add3A_716 = arith.addi %sub3A_714, %add3A_715 : i32
        %mul3A_717 = arith.constant 512 : i32
        %mul3A_718 = arith.muli %add3A_716, %mul3A_717 : i32
        %add3A_719 = arith.addi %mul3A_2, %mul3A_718 : i32
        %dma_start3A_720 = arith.constant 4 : i32
        %dma_start3A_721 = arith.constant 0 : i32
        %dma_start3A_722 = arith.constant 0 : i32
        %dma_start3A_723 = tpu.memref_slice %arg6[%dma_start3A_720, %dma_start3A_721, %dma_start3A_722] : memref<5x512x32xf32, #tpu.memory_space<vmem>> -> memref<1x512x32xf32, #tpu.memory_space<vmem>>
        %dma_start3A_724 = tpu.memref_squeeze %dma_start3A_723 : memref<1x512x32xf32, #tpu.memory_space<vmem>> -> memref<512x32xf32, #tpu.memory_space<vmem>>
        %dma_start3A_725 = arith.constant 0 : i32
        %dma_start3A_726 = tpu.memref_slice %arg4[%add3A_719, %dma_start3A_725] : memref<3276800x32xf32, #tpu.memory_space<hbm>> -> memref<512x32xf32, #tpu.memory_space<hbm>>
        %dma_start3A_727 = arith.constant 0 : i32
        %dma_start3A_728 = tpu.memref_slice %arg4[%add3A_719, %dma_start3A_727] : memref<3276800x32xf32, #tpu.memory_space<hbm>> -> memref<512x32xf32, #tpu.memory_space<hbm>>
        %dma_start3A_729 = arith.constant 0 : i32
        %dma_start3A_730 = arith.constant 0 : i32
        %dma_start3A_731 = tpu.memref_slice %arg6[%dma_start3A_720, %dma_start3A_729, %dma_start3A_730] : memref<5x512x32xf32, #tpu.memory_space<vmem>> -> memref<1x512x32xf32, #tpu.memory_space<vmem>>
        %dma_start3A_732 = tpu.memref_squeeze %dma_start3A_731 : memref<1x512x32xf32, #tpu.memory_space<vmem>> -> memref<512x32xf32, #tpu.memory_space<vmem>>
        tpu.enqueue_dma source(%dma_start3A_732 : memref<512x32xf32, #tpu.memory_space<vmem>>) target(%dma_start3A_728 : memref<512x32xf32, #tpu.memory_space<hbm>>) target_semaphore(%arg26 : memref<!tpu.dma_semaphore, #tpu.memory_space<semaphore_mem>>)
      } else {
      }
      %add3A_425 = arith.constant 6 : i32
      %add3A_426 = arith.addi %add3A_390, %add3A_425 : i32
      %lt3A_427 = arith.constant 200 : i32
      %lt3A_428 = arith.cmpi slt, %add3A_426, %lt3A_427 : i32
      %convert_element_type3A_429 = arith.extui %lt3A_428 : i1 to i32
      %cond3A_430 = arith.constant 0 : i32
      %cond3A_431 = arith.cmpi ne, %convert_element_type3A_429, %cond3A_430 : i32
      scf.if %cond3A_431 {
        %add3A_702 = arith.constant 6 : i32
        %add3A_703 = arith.addi %add3A_390, %add3A_702 : i32
        %mul3A_704 = arith.constant 512 : i32
        %mul3A_705 = arith.muli %add3A_703, %mul3A_704 : i32
        %add3A_706 = arith.addi %mul3A_2, %mul3A_705 : i32
        %dma_start3A_707 = arith.constant 9 : i32
        %dma_start3A_708 = arith.constant 0 : i32
        %dma_start3A_709 = tpu.memref_slice %arg5[%dma_start3A_707, %dma_start3A_708] : memref<10x512xi32, #tpu.memory_space<vmem>> -> memref<1x512xi32, #tpu.memory_space<vmem>>
        %dma_start3A_710 = tpu.memref_squeeze %dma_start3A_709 : memref<1x512xi32, #tpu.memory_space<vmem>> -> memref<512xi32, #tpu.memory_space<vmem>>
        %dma_start3A_711 = tpu.memref_slice %arg2[%add3A_706] : memref<3276800xi32, #tpu.memory_space<hbm>> -> memref<512xi32, #tpu.memory_space<hbm>>
        %dma_start3A_712 = arith.constant 0 : i32
        %dma_start3A_713 = tpu.memref_slice %arg5[%dma_start3A_707, %dma_start3A_712] : memref<10x512xi32, #tpu.memory_space<vmem>> -> memref<1x512xi32, #tpu.memory_space<vmem>>
        %dma_start3A_714 = tpu.memref_squeeze %dma_start3A_713 : memref<1x512xi32, #tpu.memory_space<vmem>> -> memref<512xi32, #tpu.memory_space<vmem>>
        %dma_start3A_715 = tpu.memref_slice %arg2[%add3A_706] : memref<3276800xi32, #tpu.memory_space<hbm>> -> memref<512xi32, #tpu.memory_space<hbm>>
        tpu.enqueue_dma source(%dma_start3A_715 : memref<512xi32, #tpu.memory_space<hbm>>) target(%dma_start3A_714 : memref<512xi32, #tpu.memory_space<vmem>>) target_semaphore(%arg16 : memref<!tpu.dma_semaphore, #tpu.memory_space<semaphore_mem>>)
      } else {
      }
      %mul3A_432 = arith.constant 10 : i32
      %mul3A_433 = arith.muli %scan3A_255, %mul3A_432 : i32
      %add3A_434 = arith.constant 4 : i32
      %add3A_435 = arith.addi %mul3A_433, %add3A_434 : i32
      %mul3A_436 = arith.constant 512 : i32
      %mul3A_437 = arith.muli %add3A_435, %mul3A_436 : i32
      %add3A_438 = arith.addi %mul3A_2, %mul3A_437 : i32
      %dma_wait3A_439 = arith.constant 4 : i32
      %dma_wait3A_440 = arith.constant 0 : i32
      %dma_wait3A_441 = tpu.memref_slice %arg5[%dma_wait3A_439, %dma_wait3A_440] : memref<10x512xi32, #tpu.memory_space<vmem>> -> memref<1x512xi32, #tpu.memory_space<vmem>>
      %dma_wait3A_442 = tpu.memref_squeeze %dma_wait3A_441 : memref<1x512xi32, #tpu.memory_space<vmem>> -> memref<512xi32, #tpu.memory_space<vmem>>
      %dma_wait3A_443 = tpu.memref_slice %arg2[%add3A_438] : memref<3276800xi32, #tpu.memory_space<hbm>> -> memref<512xi32, #tpu.memory_space<hbm>>
      %dma_wait3A_444 = arith.constant 0 : i32
      %dma_wait3A_445 = tpu.memref_slice %arg5[%dma_wait3A_439, %dma_wait3A_444] : memref<10x512xi32, #tpu.memory_space<vmem>> -> memref<1x512xi32, #tpu.memory_space<vmem>>
      %dma_wait3A_446 = tpu.memref_squeeze %dma_wait3A_445 : memref<1x512xi32, #tpu.memory_space<vmem>> -> memref<512xi32, #tpu.memory_space<vmem>>
      %dma_wait3A_447 = tpu.memref_slice %arg2[%add3A_438] : memref<3276800xi32, #tpu.memory_space<hbm>> -> memref<512xi32, #tpu.memory_space<hbm>>
      tpu.wait_dma2 semaphore(%arg11 : memref<!tpu.dma_semaphore, #tpu.memory_space<semaphore_mem>>) src(%dma_wait3A_447 : memref<512xi32, #tpu.memory_space<hbm>>) dst(%dma_wait3A_446 : memref<512xi32, #tpu.memory_space<vmem>>)
      %ge3A_448 = arith.constant 5 : i32
      %ge3A_449 = arith.cmpi sge, %add3A_435, %ge3A_448 : i32
      %convert_element_type3A_450 = arith.extui %ge3A_449 : i1 to i32
      %cond3A_451 = arith.constant 0 : i32
      %cond3A_452 = arith.cmpi ne, %convert_element_type3A_450, %cond3A_451 : i32
      scf.if %cond3A_452 {
        %sub3A = arith.constant 5 : i32
        %sub3A_702 = arith.subi %add3A_435, %sub3A : i32
        %mul3A_703 = arith.constant 512 : i32
        %mul3A_704 = arith.muli %sub3A_702, %mul3A_703 : i32
        %add3A_705 = arith.addi %mul3A_2, %mul3A_704 : i32
        %dma_wait3A_706 = arith.constant 4 : i32
        %dma_wait3A_707 = arith.constant 0 : i32
        %dma_wait3A_708 = arith.constant 0 : i32
        %dma_wait3A_709 = tpu.memref_slice %arg6[%dma_wait3A_706, %dma_wait3A_707, %dma_wait3A_708] : memref<5x512x32xf32, #tpu.memory_space<vmem>> -> memref<1x512x32xf32, #tpu.memory_space<vmem>>
        %dma_wait3A_710 = tpu.memref_squeeze %dma_wait3A_709 : memref<1x512x32xf32, #tpu.memory_space<vmem>> -> memref<512x32xf32, #tpu.memory_space<vmem>>
        %dma_wait3A_711 = arith.constant 0 : i32
        %dma_wait3A_712 = tpu.memref_slice %arg4[%add3A_705, %dma_wait3A_711] : memref<3276800x32xf32, #tpu.memory_space<hbm>> -> memref<512x32xf32, #tpu.memory_space<hbm>>
        %dma_wait3A_713 = arith.constant 0 : i32
        %dma_wait3A_714 = tpu.memref_slice %arg4[%add3A_705, %dma_wait3A_713] : memref<3276800x32xf32, #tpu.memory_space<hbm>> -> memref<512x32xf32, #tpu.memory_space<hbm>>
        %dma_wait3A_715 = arith.constant 0 : i32
        %dma_wait3A_716 = arith.constant 0 : i32
        %dma_wait3A_717 = tpu.memref_slice %arg6[%dma_wait3A_706, %dma_wait3A_715, %dma_wait3A_716] : memref<5x512x32xf32, #tpu.memory_space<vmem>> -> memref<1x512x32xf32, #tpu.memory_space<vmem>>
        %dma_wait3A_718 = tpu.memref_squeeze %dma_wait3A_717 : memref<1x512x32xf32, #tpu.memory_space<vmem>> -> memref<512x32xf32, #tpu.memory_space<vmem>>
        tpu.wait_dma2 semaphore(%arg26 : memref<!tpu.dma_semaphore, #tpu.memory_space<semaphore_mem>>) src(%dma_wait3A_718 : memref<512x32xf32, #tpu.memory_space<vmem>>) dst(%dma_wait3A_714 : memref<512x32xf32, #tpu.memory_space<hbm>>)
      } else {
      }
      %dma_start3A_453 = arith.constant 4 : i32
      %dma_start3A_454 = arith.constant 4 : i32
      %dma_start3A_455 = arith.constant 0 : i32
      %dma_start3A_456 = arith.constant 0 : i32
      %dma_start3A_457 = tpu.memref_slice %arg6[%dma_start3A_454, %dma_start3A_455, %dma_start3A_456] : memref<5x512x32xf32, #tpu.memory_space<vmem>> -> memref<1x512x32xf32, #tpu.memory_space<vmem>>
      %dma_start3A_458 = tpu.memref_squeeze %dma_start3A_457 : memref<1x512x32xf32, #tpu.memory_space<vmem>> -> memref<512x32xf32, #tpu.memory_space<vmem>>
      %dma_start3A_459 = arith.constant 0 : i32
      %dma_start3A_460 = tpu.memref_slice %arg5[%dma_start3A_453, %dma_start3A_459] : memref<10x512xi32, #tpu.memory_space<vmem>> -> memref<1x512xi32, #tpu.memory_space<vmem>>
      %dma_start3A_461 = tpu.memref_squeeze %dma_start3A_460 : memref<1x512xi32, #tpu.memory_space<vmem>> -> memref<512xi32, #tpu.memory_space<vmem>>
      %dma_start3A_462 = arith.constant 0 : i32
      %dma_start3A_463 = arith.constant 0 : i32
      %dma_start3A_464 = tpu.memref_slice %arg3[%dma_start3A_462, %dma_start3A_463] : memref<1000000x32xf32, #tpu.memory_space<hbm>> -> memref<1000000x32xf32, #tpu.memory_space<hbm>>
      tpu.enqueue_indirect_dma source(%dma_start3A_464 : memref<1000000x32xf32, #tpu.memory_space<hbm>>) target(%dma_start3A_458 : memref<512x32xf32, #tpu.memory_space<vmem>>) offsets(%dma_start3A_461 : memref<512xi32, #tpu.memory_space<vmem>>) semaphore(%arg21 : memref<!tpu.dma_semaphore, #tpu.memory_space<semaphore_mem>>)
      %ge3A_465 = arith.constant 4 : i32
      %ge3A_466 = arith.cmpi sge, %add3A_435, %ge3A_465 : i32
      %convert_element_type3A_467 = arith.extui %ge3A_466 : i1 to i32
      %cond3A_468 = arith.constant 0 : i32
      %cond3A_469 = arith.cmpi ne, %convert_element_type3A_467, %cond3A_468 : i32
      scf.if %cond3A_469 {
        %dma_wait3A_702 = arith.constant 0 : i32
        %dma_wait3A_703 = arith.constant 0 : i32
        %dma_wait3A_704 = arith.constant 0 : i32
        %dma_wait3A_705 = arith.constant 0 : i32
        %dma_wait3A_706 = tpu.memref_slice %arg6[%dma_wait3A_703, %dma_wait3A_704, %dma_wait3A_705] : memref<5x512x32xf32, #tpu.memory_space<vmem>> -> memref<1x512x32xf32, #tpu.memory_space<vmem>>
        %dma_wait3A_707 = tpu.memref_squeeze %dma_wait3A_706 : memref<1x512x32xf32, #tpu.memory_space<vmem>> -> memref<512x32xf32, #tpu.memory_space<vmem>>
        %dma_wait3A_708 = arith.constant 0 : i32
        %dma_wait3A_709 = tpu.memref_slice %arg5[%dma_wait3A_702, %dma_wait3A_708] : memref<10x512xi32, #tpu.memory_space<vmem>> -> memref<1x512xi32, #tpu.memory_space<vmem>>
        %dma_wait3A_710 = tpu.memref_squeeze %dma_wait3A_709 : memref<1x512xi32, #tpu.memory_space<vmem>> -> memref<512xi32, #tpu.memory_space<vmem>>
        %dma_wait3A_711 = arith.constant 0 : i32
        %dma_wait3A_712 = arith.constant 0 : i32
        %dma_wait3A_713 = tpu.memref_slice %arg3[%dma_wait3A_711, %dma_wait3A_712] : memref<1000000x32xf32, #tpu.memory_space<hbm>> -> memref<1000000x32xf32, #tpu.memory_space<hbm>>
        tpu.wait_indirect_dma semaphore(%arg17 : memref<!tpu.dma_semaphore, #tpu.memory_space<semaphore_mem>>) src(%dma_wait3A_713 : memref<1000000x32xf32, #tpu.memory_space<hbm>>) dst(%dma_wait3A_707 : memref<512x32xf32, #tpu.memory_space<vmem>>)
        %sub3A = arith.constant 5 : i32
        %sub3A_714 = arith.subi %add3A_435, %sub3A : i32
        %add3A_715 = arith.constant 1 : i32
        %add3A_716 = arith.addi %sub3A_714, %add3A_715 : i32
        %mul3A_717 = arith.constant 512 : i32
        %mul3A_718 = arith.muli %add3A_716, %mul3A_717 : i32
        %add3A_719 = arith.addi %mul3A_2, %mul3A_718 : i32
        %dma_start3A_720 = arith.constant 0 : i32
        %dma_start3A_721 = arith.constant 0 : i32
        %dma_start3A_722 = arith.constant 0 : i32
        %dma_start3A_723 = tpu.memref_slice %arg6[%dma_start3A_720, %dma_start3A_721, %dma_start3A_722] : memref<5x512x32xf32, #tpu.memory_space<vmem>> -> memref<1x512x32xf32, #tpu.memory_space<vmem>>
        %dma_start3A_724 = tpu.memref_squeeze %dma_start3A_723 : memref<1x512x32xf32, #tpu.memory_space<vmem>> -> memref<512x32xf32, #tpu.memory_space<vmem>>
        %dma_start3A_725 = arith.constant 0 : i32
        %dma_start3A_726 = tpu.memref_slice %arg4[%add3A_719, %dma_start3A_725] : memref<3276800x32xf32, #tpu.memory_space<hbm>> -> memref<512x32xf32, #tpu.memory_space<hbm>>
        %dma_start3A_727 = arith.constant 0 : i32
        %dma_start3A_728 = tpu.memref_slice %arg4[%add3A_719, %dma_start3A_727] : memref<3276800x32xf32, #tpu.memory_space<hbm>> -> memref<512x32xf32, #tpu.memory_space<hbm>>
        %dma_start3A_729 = arith.constant 0 : i32
        %dma_start3A_730 = arith.constant 0 : i32
        %dma_start3A_731 = tpu.memref_slice %arg6[%dma_start3A_720, %dma_start3A_729, %dma_start3A_730] : memref<5x512x32xf32, #tpu.memory_space<vmem>> -> memref<1x512x32xf32, #tpu.memory_space<vmem>>
        %dma_start3A_732 = tpu.memref_squeeze %dma_start3A_731 : memref<1x512x32xf32, #tpu.memory_space<vmem>> -> memref<512x32xf32, #tpu.memory_space<vmem>>
        tpu.enqueue_dma source(%dma_start3A_732 : memref<512x32xf32, #tpu.memory_space<vmem>>) target(%dma_start3A_728 : memref<512x32xf32, #tpu.memory_space<hbm>>) target_semaphore(%arg22 : memref<!tpu.dma_semaphore, #tpu.memory_space<semaphore_mem>>)
      } else {
      }
      %add3A_470 = arith.constant 6 : i32
      %add3A_471 = arith.addi %add3A_435, %add3A_470 : i32
      %lt3A_472 = arith.constant 200 : i32
      %lt3A_473 = arith.cmpi slt, %add3A_471, %lt3A_472 : i32
      %convert_element_type3A_474 = arith.extui %lt3A_473 : i1 to i32
      %cond3A_475 = arith.constant 0 : i32
      %cond3A_476 = arith.cmpi ne, %convert_element_type3A_474, %cond3A_475 : i32
      scf.if %cond3A_476 {
        %add3A_702 = arith.constant 6 : i32
        %add3A_703 = arith.addi %add3A_435, %add3A_702 : i32
        %mul3A_704 = arith.constant 512 : i32
        %mul3A_705 = arith.muli %add3A_703, %mul3A_704 : i32
        %add3A_706 = arith.addi %mul3A_2, %mul3A_705 : i32
        %dma_start3A_707 = arith.constant 0 : i32
        %dma_start3A_708 = arith.constant 0 : i32
        %dma_start3A_709 = tpu.memref_slice %arg5[%dma_start3A_707, %dma_start3A_708] : memref<10x512xi32, #tpu.memory_space<vmem>> -> memref<1x512xi32, #tpu.memory_space<vmem>>
        %dma_start3A_710 = tpu.memref_squeeze %dma_start3A_709 : memref<1x512xi32, #tpu.memory_space<vmem>> -> memref<512xi32, #tpu.memory_space<vmem>>
        %dma_start3A_711 = tpu.memref_slice %arg2[%add3A_706] : memref<3276800xi32, #tpu.memory_space<hbm>> -> memref<512xi32, #tpu.memory_space<hbm>>
        %dma_start3A_712 = arith.constant 0 : i32
        %dma_start3A_713 = tpu.memref_slice %arg5[%dma_start3A_707, %dma_start3A_712] : memref<10x512xi32, #tpu.memory_space<vmem>> -> memref<1x512xi32, #tpu.memory_space<vmem>>
        %dma_start3A_714 = tpu.memref_squeeze %dma_start3A_713 : memref<1x512xi32, #tpu.memory_space<vmem>> -> memref<512xi32, #tpu.memory_space<vmem>>
        %dma_start3A_715 = tpu.memref_slice %arg2[%add3A_706] : memref<3276800xi32, #tpu.memory_space<hbm>> -> memref<512xi32, #tpu.memory_space<hbm>>
        tpu.enqueue_dma source(%dma_start3A_715 : memref<512xi32, #tpu.memory_space<hbm>>) target(%dma_start3A_714 : memref<512xi32, #tpu.memory_space<vmem>>) target_semaphore(%arg7 : memref<!tpu.dma_semaphore, #tpu.memory_space<semaphore_mem>>)
      } else {
      }
      %mul3A_477 = arith.constant 10 : i32
      %mul3A_478 = arith.muli %scan3A_255, %mul3A_477 : i32
      %add3A_479 = arith.constant 5 : i32
      %add3A_480 = arith.addi %mul3A_478, %add3A_479 : i32
      %mul3A_481 = arith.constant 512 : i32
      %mul3A_482 = arith.muli %add3A_480, %mul3A_481 : i32
      %add3A_483 = arith.addi %mul3A_2, %mul3A_482 : i32
      %dma_wait3A_484 = arith.constant 5 : i32
      %dma_wait3A_485 = arith.constant 0 : i32
      %dma_wait3A_486 = tpu.memref_slice %arg5[%dma_wait3A_484, %dma_wait3A_485] : memref<10x512xi32, #tpu.memory_space<vmem>> -> memref<1x512xi32, #tpu.memory_space<vmem>>
      %dma_wait3A_487 = tpu.memref_squeeze %dma_wait3A_486 : memref<1x512xi32, #tpu.memory_space<vmem>> -> memref<512xi32, #tpu.memory_space<vmem>>
      %dma_wait3A_488 = tpu.memref_slice %arg2[%add3A_483] : memref<3276800xi32, #tpu.memory_space<hbm>> -> memref<512xi32, #tpu.memory_space<hbm>>
      %dma_wait3A_489 = arith.constant 0 : i32
      %dma_wait3A_490 = tpu.memref_slice %arg5[%dma_wait3A_484, %dma_wait3A_489] : memref<10x512xi32, #tpu.memory_space<vmem>> -> memref<1x512xi32, #tpu.memory_space<vmem>>
      %dma_wait3A_491 = tpu.memref_squeeze %dma_wait3A_490 : memref<1x512xi32, #tpu.memory_space<vmem>> -> memref<512xi32, #tpu.memory_space<vmem>>
      %dma_wait3A_492 = tpu.memref_slice %arg2[%add3A_483] : memref<3276800xi32, #tpu.memory_space<hbm>> -> memref<512xi32, #tpu.memory_space<hbm>>
      tpu.wait_dma2 semaphore(%arg12 : memref<!tpu.dma_semaphore, #tpu.memory_space<semaphore_mem>>) src(%dma_wait3A_492 : memref<512xi32, #tpu.memory_space<hbm>>) dst(%dma_wait3A_491 : memref<512xi32, #tpu.memory_space<vmem>>)
      %ge3A_493 = arith.constant 5 : i32
      %ge3A_494 = arith.cmpi sge, %add3A_480, %ge3A_493 : i32
      %convert_element_type3A_495 = arith.extui %ge3A_494 : i1 to i32
      %cond3A_496 = arith.constant 0 : i32
      %cond3A_497 = arith.cmpi ne, %convert_element_type3A_495, %cond3A_496 : i32
      scf.if %cond3A_497 {
        %sub3A = arith.constant 5 : i32
        %sub3A_702 = arith.subi %add3A_480, %sub3A : i32
        %mul3A_703 = arith.constant 512 : i32
        %mul3A_704 = arith.muli %sub3A_702, %mul3A_703 : i32
        %add3A_705 = arith.addi %mul3A_2, %mul3A_704 : i32
        %dma_wait3A_706 = arith.constant 0 : i32
        %dma_wait3A_707 = arith.constant 0 : i32
        %dma_wait3A_708 = arith.constant 0 : i32
        %dma_wait3A_709 = tpu.memref_slice %arg6[%dma_wait3A_706, %dma_wait3A_707, %dma_wait3A_708] : memref<5x512x32xf32, #tpu.memory_space<vmem>> -> memref<1x512x32xf32, #tpu.memory_space<vmem>>
        %dma_wait3A_710 = tpu.memref_squeeze %dma_wait3A_709 : memref<1x512x32xf32, #tpu.memory_space<vmem>> -> memref<512x32xf32, #tpu.memory_space<vmem>>
        %dma_wait3A_711 = arith.constant 0 : i32
        %dma_wait3A_712 = tpu.memref_slice %arg4[%add3A_705, %dma_wait3A_711] : memref<3276800x32xf32, #tpu.memory_space<hbm>> -> memref<512x32xf32, #tpu.memory_space<hbm>>
        %dma_wait3A_713 = arith.constant 0 : i32
        %dma_wait3A_714 = tpu.memref_slice %arg4[%add3A_705, %dma_wait3A_713] : memref<3276800x32xf32, #tpu.memory_space<hbm>> -> memref<512x32xf32, #tpu.memory_space<hbm>>
        %dma_wait3A_715 = arith.constant 0 : i32
        %dma_wait3A_716 = arith.constant 0 : i32
        %dma_wait3A_717 = tpu.memref_slice %arg6[%dma_wait3A_706, %dma_wait3A_715, %dma_wait3A_716] : memref<5x512x32xf32, #tpu.memory_space<vmem>> -> memref<1x512x32xf32, #tpu.memory_space<vmem>>
        %dma_wait3A_718 = tpu.memref_squeeze %dma_wait3A_717 : memref<1x512x32xf32, #tpu.memory_space<vmem>> -> memref<512x32xf32, #tpu.memory_space<vmem>>
        tpu.wait_dma2 semaphore(%arg22 : memref<!tpu.dma_semaphore, #tpu.memory_space<semaphore_mem>>) src(%dma_wait3A_718 : memref<512x32xf32, #tpu.memory_space<vmem>>) dst(%dma_wait3A_714 : memref<512x32xf32, #tpu.memory_space<hbm>>)
      } else {
      }
      %dma_start3A_498 = arith.constant 5 : i32
      %dma_start3A_499 = arith.constant 0 : i32
      %dma_start3A_500 = arith.constant 0 : i32
      %dma_start3A_501 = arith.constant 0 : i32
      %dma_start3A_502 = tpu.memref_slice %arg6[%dma_start3A_499, %dma_start3A_500, %dma_start3A_501] : memref<5x512x32xf32, #tpu.memory_space<vmem>> -> memref<1x512x32xf32, #tpu.memory_space<vmem>>
      %dma_start3A_503 = tpu.memref_squeeze %dma_start3A_502 : memref<1x512x32xf32, #tpu.memory_space<vmem>> -> memref<512x32xf32, #tpu.memory_space<vmem>>
      %dma_start3A_504 = arith.constant 0 : i32
      %dma_start3A_505 = tpu.memref_slice %arg5[%dma_start3A_498, %dma_start3A_504] : memref<10x512xi32, #tpu.memory_space<vmem>> -> memref<1x512xi32, #tpu.memory_space<vmem>>
      %dma_start3A_506 = tpu.memref_squeeze %dma_start3A_505 : memref<1x512xi32, #tpu.memory_space<vmem>> -> memref<512xi32, #tpu.memory_space<vmem>>
      %dma_start3A_507 = arith.constant 0 : i32
      %dma_start3A_508 = arith.constant 0 : i32
      %dma_start3A_509 = tpu.memref_slice %arg3[%dma_start3A_507, %dma_start3A_508] : memref<1000000x32xf32, #tpu.memory_space<hbm>> -> memref<1000000x32xf32, #tpu.memory_space<hbm>>
      tpu.enqueue_indirect_dma source(%dma_start3A_509 : memref<1000000x32xf32, #tpu.memory_space<hbm>>) target(%dma_start3A_503 : memref<512x32xf32, #tpu.memory_space<vmem>>) offsets(%dma_start3A_506 : memref<512xi32, #tpu.memory_space<vmem>>) semaphore(%arg17 : memref<!tpu.dma_semaphore, #tpu.memory_space<semaphore_mem>>)
      %ge3A_510 = arith.constant 4 : i32
      %ge3A_511 = arith.cmpi sge, %add3A_480, %ge3A_510 : i32
      %convert_element_type3A_512 = arith.extui %ge3A_511 : i1 to i32
      %cond3A_513 = arith.constant 0 : i32
      %cond3A_514 = arith.cmpi ne, %convert_element_type3A_512, %cond3A_513 : i32
      scf.if %cond3A_514 {
        %dma_wait3A_702 = arith.constant 1 : i32
        %dma_wait3A_703 = arith.constant 1 : i32
        %dma_wait3A_704 = arith.constant 0 : i32
        %dma_wait3A_705 = arith.constant 0 : i32
        %dma_wait3A_706 = tpu.memref_slice %arg6[%dma_wait3A_703, %dma_wait3A_704, %dma_wait3A_705] : memref<5x512x32xf32, #tpu.memory_space<vmem>> -> memref<1x512x32xf32, #tpu.memory_space<vmem>>
        %dma_wait3A_707 = tpu.memref_squeeze %dma_wait3A_706 : memref<1x512x32xf32, #tpu.memory_space<vmem>> -> memref<512x32xf32, #tpu.memory_space<vmem>>
        %dma_wait3A_708 = arith.constant 0 : i32
        %dma_wait3A_709 = tpu.memref_slice %arg5[%dma_wait3A_702, %dma_wait3A_708] : memref<10x512xi32, #tpu.memory_space<vmem>> -> memref<1x512xi32, #tpu.memory_space<vmem>>
        %dma_wait3A_710 = tpu.memref_squeeze %dma_wait3A_709 : memref<1x512xi32, #tpu.memory_space<vmem>> -> memref<512xi32, #tpu.memory_space<vmem>>
        %dma_wait3A_711 = arith.constant 0 : i32
        %dma_wait3A_712 = arith.constant 0 : i32
        %dma_wait3A_713 = tpu.memref_slice %arg3[%dma_wait3A_711, %dma_wait3A_712] : memref<1000000x32xf32, #tpu.memory_space<hbm>> -> memref<1000000x32xf32, #tpu.memory_space<hbm>>
        tpu.wait_indirect_dma semaphore(%arg18 : memref<!tpu.dma_semaphore, #tpu.memory_space<semaphore_mem>>) src(%dma_wait3A_713 : memref<1000000x32xf32, #tpu.memory_space<hbm>>) dst(%dma_wait3A_707 : memref<512x32xf32, #tpu.memory_space<vmem>>)
        %sub3A = arith.constant 5 : i32
        %sub3A_714 = arith.subi %add3A_480, %sub3A : i32
        %add3A_715 = arith.constant 1 : i32
        %add3A_716 = arith.addi %sub3A_714, %add3A_715 : i32
        %mul3A_717 = arith.constant 512 : i32
        %mul3A_718 = arith.muli %add3A_716, %mul3A_717 : i32
        %add3A_719 = arith.addi %mul3A_2, %mul3A_718 : i32
        %dma_start3A_720 = arith.constant 1 : i32
        %dma_start3A_721 = arith.constant 0 : i32
        %dma_start3A_722 = arith.constant 0 : i32
        %dma_start3A_723 = tpu.memref_slice %arg6[%dma_start3A_720, %dma_start3A_721, %dma_start3A_722] : memref<5x512x32xf32, #tpu.memory_space<vmem>> -> memref<1x512x32xf32, #tpu.memory_space<vmem>>
        %dma_start3A_724 = tpu.memref_squeeze %dma_start3A_723 : memref<1x512x32xf32, #tpu.memory_space<vmem>> -> memref<512x32xf32, #tpu.memory_space<vmem>>
        %dma_start3A_725 = arith.constant 0 : i32
        %dma_start3A_726 = tpu.memref_slice %arg4[%add3A_719, %dma_start3A_725] : memref<3276800x32xf32, #tpu.memory_space<hbm>> -> memref<512x32xf32, #tpu.memory_space<hbm>>
        %dma_start3A_727 = arith.constant 0 : i32
        %dma_start3A_728 = tpu.memref_slice %arg4[%add3A_719, %dma_start3A_727] : memref<3276800x32xf32, #tpu.memory_space<hbm>> -> memref<512x32xf32, #tpu.memory_space<hbm>>
        %dma_start3A_729 = arith.constant 0 : i32
        %dma_start3A_730 = arith.constant 0 : i32
        %dma_start3A_731 = tpu.memref_slice %arg6[%dma_start3A_720, %dma_start3A_729, %dma_start3A_730] : memref<5x512x32xf32, #tpu.memory_space<vmem>> -> memref<1x512x32xf32, #tpu.memory_space<vmem>>
        %dma_start3A_732 = tpu.memref_squeeze %dma_start3A_731 : memref<1x512x32xf32, #tpu.memory_space<vmem>> -> memref<512x32xf32, #tpu.memory_space<vmem>>
        tpu.enqueue_dma source(%dma_start3A_732 : memref<512x32xf32, #tpu.memory_space<vmem>>) target(%dma_start3A_728 : memref<512x32xf32, #tpu.memory_space<hbm>>) target_semaphore(%arg23 : memref<!tpu.dma_semaphore, #tpu.memory_space<semaphore_mem>>)
      } else {
      }
      %add3A_515 = arith.constant 6 : i32
      %add3A_516 = arith.addi %add3A_480, %add3A_515 : i32
      %lt3A_517 = arith.constant 200 : i32
      %lt3A_518 = arith.cmpi slt, %add3A_516, %lt3A_517 : i32
      %convert_element_type3A_519 = arith.extui %lt3A_518 : i1 to i32
      %cond3A_520 = arith.constant 0 : i32
      %cond3A_521 = arith.cmpi ne, %convert_element_type3A_519, %cond3A_520 : i32
      scf.if %cond3A_521 {
        %add3A_702 = arith.constant 6 : i32
        %add3A_703 = arith.addi %add3A_480, %add3A_702 : i32
        %mul3A_704 = arith.constant 512 : i32
        %mul3A_705 = arith.muli %add3A_703, %mul3A_704 : i32
        %add3A_706 = arith.addi %mul3A_2, %mul3A_705 : i32
        %dma_start3A_707 = arith.constant 1 : i32
        %dma_start3A_708 = arith.constant 0 : i32
        %dma_start3A_709 = tpu.memref_slice %arg5[%dma_start3A_707, %dma_start3A_708] : memref<10x512xi32, #tpu.memory_space<vmem>> -> memref<1x512xi32, #tpu.memory_space<vmem>>
        %dma_start3A_710 = tpu.memref_squeeze %dma_start3A_709 : memref<1x512xi32, #tpu.memory_space<vmem>> -> memref<512xi32, #tpu.memory_space<vmem>>
        %dma_start3A_711 = tpu.memref_slice %arg2[%add3A_706] : memref<3276800xi32, #tpu.memory_space<hbm>> -> memref<512xi32, #tpu.memory_space<hbm>>
        %dma_start3A_712 = arith.constant 0 : i32
        %dma_start3A_713 = tpu.memref_slice %arg5[%dma_start3A_707, %dma_start3A_712] : memref<10x512xi32, #tpu.memory_space<vmem>> -> memref<1x512xi32, #tpu.memory_space<vmem>>
        %dma_start3A_714 = tpu.memref_squeeze %dma_start3A_713 : memref<1x512xi32, #tpu.memory_space<vmem>> -> memref<512xi32, #tpu.memory_space<vmem>>
        %dma_start3A_715 = tpu.memref_slice %arg2[%add3A_706] : memref<3276800xi32, #tpu.memory_space<hbm>> -> memref<512xi32, #tpu.memory_space<hbm>>
        tpu.enqueue_dma source(%dma_start3A_715 : memref<512xi32, #tpu.memory_space<hbm>>) target(%dma_start3A_714 : memref<512xi32, #tpu.memory_space<vmem>>) target_semaphore(%arg8 : memref<!tpu.dma_semaphore, #tpu.memory_space<semaphore_mem>>)
      } else {
      }
      %mul3A_522 = arith.constant 10 : i32
      %mul3A_523 = arith.muli %scan3A_255, %mul3A_522 : i32
      %add3A_524 = arith.constant 6 : i32
      %add3A_525 = arith.addi %mul3A_523, %add3A_524 : i32
      %mul3A_526 = arith.constant 512 : i32
      %mul3A_527 = arith.muli %add3A_525, %mul3A_526 : i32
      %add3A_528 = arith.addi %mul3A_2, %mul3A_527 : i32
      %dma_wait3A_529 = arith.constant 6 : i32
      %dma_wait3A_530 = arith.constant 0 : i32
      %dma_wait3A_531 = tpu.memref_slice %arg5[%dma_wait3A_529, %dma_wait3A_530] : memref<10x512xi32, #tpu.memory_space<vmem>> -> memref<1x512xi32, #tpu.memory_space<vmem>>
      %dma_wait3A_532 = tpu.memref_squeeze %dma_wait3A_531 : memref<1x512xi32, #tpu.memory_space<vmem>> -> memref<512xi32, #tpu.memory_space<vmem>>
      %dma_wait3A_533 = tpu.memref_slice %arg2[%add3A_528] : memref<3276800xi32, #tpu.memory_space<hbm>> -> memref<512xi32, #tpu.memory_space<hbm>>
      %dma_wait3A_534 = arith.constant 0 : i32
      %dma_wait3A_535 = tpu.memref_slice %arg5[%dma_wait3A_529, %dma_wait3A_534] : memref<10x512xi32, #tpu.memory_space<vmem>> -> memref<1x512xi32, #tpu.memory_space<vmem>>
      %dma_wait3A_536 = tpu.memref_squeeze %dma_wait3A_535 : memref<1x512xi32, #tpu.memory_space<vmem>> -> memref<512xi32, #tpu.memory_space<vmem>>
      %dma_wait3A_537 = tpu.memref_slice %arg2[%add3A_528] : memref<3276800xi32, #tpu.memory_space<hbm>> -> memref<512xi32, #tpu.memory_space<hbm>>
      tpu.wait_dma2 semaphore(%arg13 : memref<!tpu.dma_semaphore, #tpu.memory_space<semaphore_mem>>) src(%dma_wait3A_537 : memref<512xi32, #tpu.memory_space<hbm>>) dst(%dma_wait3A_536 : memref<512xi32, #tpu.memory_space<vmem>>)
      %ge3A_538 = arith.constant 5 : i32
      %ge3A_539 = arith.cmpi sge, %add3A_525, %ge3A_538 : i32
      %convert_element_type3A_540 = arith.extui %ge3A_539 : i1 to i32
      %cond3A_541 = arith.constant 0 : i32
      %cond3A_542 = arith.cmpi ne, %convert_element_type3A_540, %cond3A_541 : i32
      scf.if %cond3A_542 {
        %sub3A = arith.constant 5 : i32
        %sub3A_702 = arith.subi %add3A_525, %sub3A : i32
        %mul3A_703 = arith.constant 512 : i32
        %mul3A_704 = arith.muli %sub3A_702, %mul3A_703 : i32
        %add3A_705 = arith.addi %mul3A_2, %mul3A_704 : i32
        %dma_wait3A_706 = arith.constant 1 : i32
        %dma_wait3A_707 = arith.constant 0 : i32
        %dma_wait3A_708 = arith.constant 0 : i32
        %dma_wait3A_709 = tpu.memref_slice %arg6[%dma_wait3A_706, %dma_wait3A_707, %dma_wait3A_708] : memref<5x512x32xf32, #tpu.memory_space<vmem>> -> memref<1x512x32xf32, #tpu.memory_space<vmem>>
        %dma_wait3A_710 = tpu.memref_squeeze %dma_wait3A_709 : memref<1x512x32xf32, #tpu.memory_space<vmem>> -> memref<512x32xf32, #tpu.memory_space<vmem>>
        %dma_wait3A_711 = arith.constant 0 : i32
        %dma_wait3A_712 = tpu.memref_slice %arg4[%add3A_705, %dma_wait3A_711] : memref<3276800x32xf32, #tpu.memory_space<hbm>> -> memref<512x32xf32, #tpu.memory_space<hbm>>
        %dma_wait3A_713 = arith.constant 0 : i32
        %dma_wait3A_714 = tpu.memref_slice %arg4[%add3A_705, %dma_wait3A_713] : memref<3276800x32xf32, #tpu.memory_space<hbm>> -> memref<512x32xf32, #tpu.memory_space<hbm>>
        %dma_wait3A_715 = arith.constant 0 : i32
        %dma_wait3A_716 = arith.constant 0 : i32
        %dma_wait3A_717 = tpu.memref_slice %arg6[%dma_wait3A_706, %dma_wait3A_715, %dma_wait3A_716] : memref<5x512x32xf32, #tpu.memory_space<vmem>> -> memref<1x512x32xf32, #tpu.memory_space<vmem>>
        %dma_wait3A_718 = tpu.memref_squeeze %dma_wait3A_717 : memref<1x512x32xf32, #tpu.memory_space<vmem>> -> memref<512x32xf32, #tpu.memory_space<vmem>>
        tpu.wait_dma2 semaphore(%arg23 : memref<!tpu.dma_semaphore, #tpu.memory_space<semaphore_mem>>) src(%dma_wait3A_718 : memref<512x32xf32, #tpu.memory_space<vmem>>) dst(%dma_wait3A_714 : memref<512x32xf32, #tpu.memory_space<hbm>>)
      } else {
      }
      %dma_start3A_543 = arith.constant 6 : i32
      %dma_start3A_544 = arith.constant 1 : i32
      %dma_start3A_545 = arith.constant 0 : i32
      %dma_start3A_546 = arith.constant 0 : i32
      %dma_start3A_547 = tpu.memref_slice %arg6[%dma_start3A_544, %dma_start3A_545, %dma_start3A_546] : memref<5x512x32xf32, #tpu.memory_space<vmem>> -> memref<1x512x32xf32, #tpu.memory_space<vmem>>
      %dma_start3A_548 = tpu.memref_squeeze %dma_start3A_547 : memref<1x512x32xf32, #tpu.memory_space<vmem>> -> memref<512x32xf32, #tpu.memory_space<vmem>>
      %dma_start3A_549 = arith.constant 0 : i32
      %dma_start3A_550 = tpu.memref_slice %arg5[%dma_start3A_543, %dma_start3A_549] : memref<10x512xi32, #tpu.memory_space<vmem>> -> memref<1x512xi32, #tpu.memory_space<vmem>>
      %dma_start3A_551 = tpu.memref_squeeze %dma_start3A_550 : memref<1x512xi32, #tpu.memory_space<vmem>> -> memref<512xi32, #tpu.memory_space<vmem>>
      %dma_start3A_552 = arith.constant 0 : i32
      %dma_start3A_553 = arith.constant 0 : i32
      %dma_start3A_554 = tpu.memref_slice %arg3[%dma_start3A_552, %dma_start3A_553] : memref<1000000x32xf32, #tpu.memory_space<hbm>> -> memref<1000000x32xf32, #tpu.memory_space<hbm>>
      tpu.enqueue_indirect_dma source(%dma_start3A_554 : memref<1000000x32xf32, #tpu.memory_space<hbm>>) target(%dma_start3A_548 : memref<512x32xf32, #tpu.memory_space<vmem>>) offsets(%dma_start3A_551 : memref<512xi32, #tpu.memory_space<vmem>>) semaphore(%arg18 : memref<!tpu.dma_semaphore, #tpu.memory_space<semaphore_mem>>)
      %ge3A_555 = arith.constant 4 : i32
      %ge3A_556 = arith.cmpi sge, %add3A_525, %ge3A_555 : i32
      %convert_element_type3A_557 = arith.extui %ge3A_556 : i1 to i32
      %cond3A_558 = arith.constant 0 : i32
      %cond3A_559 = arith.cmpi ne, %convert_element_type3A_557, %cond3A_558 : i32
      scf.if %cond3A_559 {
        %dma_wait3A_702 = arith.constant 2 : i32
        %dma_wait3A_703 = arith.constant 2 : i32
        %dma_wait3A_704 = arith.constant 0 : i32
        %dma_wait3A_705 = arith.constant 0 : i32
        %dma_wait3A_706 = tpu.memref_slice %arg6[%dma_wait3A_703, %dma_wait3A_704, %dma_wait3A_705] : memref<5x512x32xf32, #tpu.memory_space<vmem>> -> memref<1x512x32xf32, #tpu.memory_space<vmem>>
        %dma_wait3A_707 = tpu.memref_squeeze %dma_wait3A_706 : memref<1x512x32xf32, #tpu.memory_space<vmem>> -> memref<512x32xf32, #tpu.memory_space<vmem>>
        %dma_wait3A_708 = arith.constant 0 : i32
        %dma_wait3A_709 = tpu.memref_slice %arg5[%dma_wait3A_702, %dma_wait3A_708] : memref<10x512xi32, #tpu.memory_space<vmem>> -> memref<1x512xi32, #tpu.memory_space<vmem>>
        %dma_wait3A_710 = tpu.memref_squeeze %dma_wait3A_709 : memref<1x512xi32, #tpu.memory_space<vmem>> -> memref<512xi32, #tpu.memory_space<vmem>>
        %dma_wait3A_711 = arith.constant 0 : i32
        %dma_wait3A_712 = arith.constant 0 : i32
        %dma_wait3A_713 = tpu.memref_slice %arg3[%dma_wait3A_711, %dma_wait3A_712] : memref<1000000x32xf32, #tpu.memory_space<hbm>> -> memref<1000000x32xf32, #tpu.memory_space<hbm>>
        tpu.wait_indirect_dma semaphore(%arg19 : memref<!tpu.dma_semaphore, #tpu.memory_space<semaphore_mem>>) src(%dma_wait3A_713 : memref<1000000x32xf32, #tpu.memory_space<hbm>>) dst(%dma_wait3A_707 : memref<512x32xf32, #tpu.memory_space<vmem>>)
        %sub3A = arith.constant 5 : i32
        %sub3A_714 = arith.subi %add3A_525, %sub3A : i32
        %add3A_715 = arith.constant 1 : i32
        %add3A_716 = arith.addi %sub3A_714, %add3A_715 : i32
        %mul3A_717 = arith.constant 512 : i32
        %mul3A_718 = arith.muli %add3A_716, %mul3A_717 : i32
        %add3A_719 = arith.addi %mul3A_2, %mul3A_718 : i32
        %dma_start3A_720 = arith.constant 2 : i32
        %dma_start3A_721 = arith.constant 0 : i32
        %dma_start3A_722 = arith.constant 0 : i32
        %dma_start3A_723 = tpu.memref_slice %arg6[%dma_start3A_720, %dma_start3A_721, %dma_start3A_722] : memref<5x512x32xf32, #tpu.memory_space<vmem>> -> memref<1x512x32xf32, #tpu.memory_space<vmem>>
        %dma_start3A_724 = tpu.memref_squeeze %dma_start3A_723 : memref<1x512x32xf32, #tpu.memory_space<vmem>> -> memref<512x32xf32, #tpu.memory_space<vmem>>
        %dma_start3A_725 = arith.constant 0 : i32
        %dma_start3A_726 = tpu.memref_slice %arg4[%add3A_719, %dma_start3A_725] : memref<3276800x32xf32, #tpu.memory_space<hbm>> -> memref<512x32xf32, #tpu.memory_space<hbm>>
        %dma_start3A_727 = arith.constant 0 : i32
        %dma_start3A_728 = tpu.memref_slice %arg4[%add3A_719, %dma_start3A_727] : memref<3276800x32xf32, #tpu.memory_space<hbm>> -> memref<512x32xf32, #tpu.memory_space<hbm>>
        %dma_start3A_729 = arith.constant 0 : i32
        %dma_start3A_730 = arith.constant 0 : i32
        %dma_start3A_731 = tpu.memref_slice %arg6[%dma_start3A_720, %dma_start3A_729, %dma_start3A_730] : memref<5x512x32xf32, #tpu.memory_space<vmem>> -> memref<1x512x32xf32, #tpu.memory_space<vmem>>
        %dma_start3A_732 = tpu.memref_squeeze %dma_start3A_731 : memref<1x512x32xf32, #tpu.memory_space<vmem>> -> memref<512x32xf32, #tpu.memory_space<vmem>>
        tpu.enqueue_dma source(%dma_start3A_732 : memref<512x32xf32, #tpu.memory_space<vmem>>) target(%dma_start3A_728 : memref<512x32xf32, #tpu.memory_space<hbm>>) target_semaphore(%arg24 : memref<!tpu.dma_semaphore, #tpu.memory_space<semaphore_mem>>)
      } else {
      }
      %add3A_560 = arith.constant 6 : i32
      %add3A_561 = arith.addi %add3A_525, %add3A_560 : i32
      %lt3A_562 = arith.constant 200 : i32
      %lt3A_563 = arith.cmpi slt, %add3A_561, %lt3A_562 : i32
      %convert_element_type3A_564 = arith.extui %lt3A_563 : i1 to i32
      %cond3A_565 = arith.constant 0 : i32
      %cond3A_566 = arith.cmpi ne, %convert_element_type3A_564, %cond3A_565 : i32
      scf.if %cond3A_566 {
        %add3A_702 = arith.constant 6 : i32
        %add3A_703 = arith.addi %add3A_525, %add3A_702 : i32
        %mul3A_704 = arith.constant 512 : i32
        %mul3A_705 = arith.muli %add3A_703, %mul3A_704 : i32
        %add3A_706 = arith.addi %mul3A_2, %mul3A_705 : i32
        %dma_start3A_707 = arith.constant 2 : i32
        %dma_start3A_708 = arith.constant 0 : i32
        %dma_start3A_709 = tpu.memref_slice %arg5[%dma_start3A_707, %dma_start3A_708] : memref<10x512xi32, #tpu.memory_space<vmem>> -> memref<1x512xi32, #tpu.memory_space<vmem>>
        %dma_start3A_710 = tpu.memref_squeeze %dma_start3A_709 : memref<1x512xi32, #tpu.memory_space<vmem>> -> memref<512xi32, #tpu.memory_space<vmem>>
        %dma_start3A_711 = tpu.memref_slice %arg2[%add3A_706] : memref<3276800xi32, #tpu.memory_space<hbm>> -> memref<512xi32, #tpu.memory_space<hbm>>
        %dma_start3A_712 = arith.constant 0 : i32
        %dma_start3A_713 = tpu.memref_slice %arg5[%dma_start3A_707, %dma_start3A_712] : memref<10x512xi32, #tpu.memory_space<vmem>> -> memref<1x512xi32, #tpu.memory_space<vmem>>
        %dma_start3A_714 = tpu.memref_squeeze %dma_start3A_713 : memref<1x512xi32, #tpu.memory_space<vmem>> -> memref<512xi32, #tpu.memory_space<vmem>>
        %dma_start3A_715 = tpu.memref_slice %arg2[%add3A_706] : memref<3276800xi32, #tpu.memory_space<hbm>> -> memref<512xi32, #tpu.memory_space<hbm>>
        tpu.enqueue_dma source(%dma_start3A_715 : memref<512xi32, #tpu.memory_space<hbm>>) target(%dma_start3A_714 : memref<512xi32, #tpu.memory_space<vmem>>) target_semaphore(%arg9 : memref<!tpu.dma_semaphore, #tpu.memory_space<semaphore_mem>>)
      } else {
      }
      %mul3A_567 = arith.constant 10 : i32
      %mul3A_568 = arith.muli %scan3A_255, %mul3A_567 : i32
      %add3A_569 = arith.constant 7 : i32
      %add3A_570 = arith.addi %mul3A_568, %add3A_569 : i32
      %mul3A_571 = arith.constant 512 : i32
      %mul3A_572 = arith.muli %add3A_570, %mul3A_571 : i32
      %add3A_573 = arith.addi %mul3A_2, %mul3A_572 : i32
      %dma_wait3A_574 = arith.constant 7 : i32
      %dma_wait3A_575 = arith.constant 0 : i32
      %dma_wait3A_576 = tpu.memref_slice %arg5[%dma_wait3A_574, %dma_wait3A_575] : memref<10x512xi32, #tpu.memory_space<vmem>> -> memref<1x512xi32, #tpu.memory_space<vmem>>
      %dma_wait3A_577 = tpu.memref_squeeze %dma_wait3A_576 : memref<1x512xi32, #tpu.memory_space<vmem>> -> memref<512xi32, #tpu.memory_space<vmem>>
      %dma_wait3A_578 = tpu.memref_slice %arg2[%add3A_573] : memref<3276800xi32, #tpu.memory_space<hbm>> -> memref<512xi32, #tpu.memory_space<hbm>>
      %dma_wait3A_579 = arith.constant 0 : i32
      %dma_wait3A_580 = tpu.memref_slice %arg5[%dma_wait3A_574, %dma_wait3A_579] : memref<10x512xi32, #tpu.memory_space<vmem>> -> memref<1x512xi32, #tpu.memory_space<vmem>>
      %dma_wait3A_581 = tpu.memref_squeeze %dma_wait3A_580 : memref<1x512xi32, #tpu.memory_space<vmem>> -> memref<512xi32, #tpu.memory_space<vmem>>
      %dma_wait3A_582 = tpu.memref_slice %arg2[%add3A_573] : memref<3276800xi32, #tpu.memory_space<hbm>> -> memref<512xi32, #tpu.memory_space<hbm>>
      tpu.wait_dma2 semaphore(%arg14 : memref<!tpu.dma_semaphore, #tpu.memory_space<semaphore_mem>>) src(%dma_wait3A_582 : memref<512xi32, #tpu.memory_space<hbm>>) dst(%dma_wait3A_581 : memref<512xi32, #tpu.memory_space<vmem>>)
      %ge3A_583 = arith.constant 5 : i32
      %ge3A_584 = arith.cmpi sge, %add3A_570, %ge3A_583 : i32
      %convert_element_type3A_585 = arith.extui %ge3A_584 : i1 to i32
      %cond3A_586 = arith.constant 0 : i32
      %cond3A_587 = arith.cmpi ne, %convert_element_type3A_585, %cond3A_586 : i32
      scf.if %cond3A_587 {
        %sub3A = arith.constant 5 : i32
        %sub3A_702 = arith.subi %add3A_570, %sub3A : i32
        %mul3A_703 = arith.constant 512 : i32
        %mul3A_704 = arith.muli %sub3A_702, %mul3A_703 : i32
        %add3A_705 = arith.addi %mul3A_2, %mul3A_704 : i32
        %dma_wait3A_706 = arith.constant 2 : i32
        %dma_wait3A_707 = arith.constant 0 : i32
        %dma_wait3A_708 = arith.constant 0 : i32
        %dma_wait3A_709 = tpu.memref_slice %arg6[%dma_wait3A_706, %dma_wait3A_707, %dma_wait3A_708] : memref<5x512x32xf32, #tpu.memory_space<vmem>> -> memref<1x512x32xf32, #tpu.memory_space<vmem>>
        %dma_wait3A_710 = tpu.memref_squeeze %dma_wait3A_709 : memref<1x512x32xf32, #tpu.memory_space<vmem>> -> memref<512x32xf32, #tpu.memory_space<vmem>>
        %dma_wait3A_711 = arith.constant 0 : i32
        %dma_wait3A_712 = tpu.memref_slice %arg4[%add3A_705, %dma_wait3A_711] : memref<3276800x32xf32, #tpu.memory_space<hbm>> -> memref<512x32xf32, #tpu.memory_space<hbm>>
        %dma_wait3A_713 = arith.constant 0 : i32
        %dma_wait3A_714 = tpu.memref_slice %arg4[%add3A_705, %dma_wait3A_713] : memref<3276800x32xf32, #tpu.memory_space<hbm>> -> memref<512x32xf32, #tpu.memory_space<hbm>>
        %dma_wait3A_715 = arith.constant 0 : i32
        %dma_wait3A_716 = arith.constant 0 : i32
        %dma_wait3A_717 = tpu.memref_slice %arg6[%dma_wait3A_706, %dma_wait3A_715, %dma_wait3A_716] : memref<5x512x32xf32, #tpu.memory_space<vmem>> -> memref<1x512x32xf32, #tpu.memory_space<vmem>>
        %dma_wait3A_718 = tpu.memref_squeeze %dma_wait3A_717 : memref<1x512x32xf32, #tpu.memory_space<vmem>> -> memref<512x32xf32, #tpu.memory_space<vmem>>
        tpu.wait_dma2 semaphore(%arg24 : memref<!tpu.dma_semaphore, #tpu.memory_space<semaphore_mem>>) src(%dma_wait3A_718 : memref<512x32xf32, #tpu.memory_space<vmem>>) dst(%dma_wait3A_714 : memref<512x32xf32, #tpu.memory_space<hbm>>)
      } else {
      }
      %dma_start3A_588 = arith.constant 7 : i32
      %dma_start3A_589 = arith.constant 2 : i32
      %dma_start3A_590 = arith.constant 0 : i32
      %dma_start3A_591 = arith.constant 0 : i32
      %dma_start3A_592 = tpu.memref_slice %arg6[%dma_start3A_589, %dma_start3A_590, %dma_start3A_591] : memref<5x512x32xf32, #tpu.memory_space<vmem>> -> memref<1x512x32xf32, #tpu.memory_space<vmem>>
      %dma_start3A_593 = tpu.memref_squeeze %dma_start3A_592 : memref<1x512x32xf32, #tpu.memory_space<vmem>> -> memref<512x32xf32, #tpu.memory_space<vmem>>
      %dma_start3A_594 = arith.constant 0 : i32
      %dma_start3A_595 = tpu.memref_slice %arg5[%dma_start3A_588, %dma_start3A_594] : memref<10x512xi32, #tpu.memory_space<vmem>> -> memref<1x512xi32, #tpu.memory_space<vmem>>
      %dma_start3A_596 = tpu.memref_squeeze %dma_start3A_595 : memref<1x512xi32, #tpu.memory_space<vmem>> -> memref<512xi32, #tpu.memory_space<vmem>>
      %dma_start3A_597 = arith.constant 0 : i32
      %dma_start3A_598 = arith.constant 0 : i32
      %dma_start3A_599 = tpu.memref_slice %arg3[%dma_start3A_597, %dma_start3A_598] : memref<1000000x32xf32, #tpu.memory_space<hbm>> -> memref<1000000x32xf32, #tpu.memory_space<hbm>>
      tpu.enqueue_indirect_dma source(%dma_start3A_599 : memref<1000000x32xf32, #tpu.memory_space<hbm>>) target(%dma_start3A_593 : memref<512x32xf32, #tpu.memory_space<vmem>>) offsets(%dma_start3A_596 : memref<512xi32, #tpu.memory_space<vmem>>) semaphore(%arg19 : memref<!tpu.dma_semaphore, #tpu.memory_space<semaphore_mem>>)
      %ge3A_600 = arith.constant 4 : i32
      %ge3A_601 = arith.cmpi sge, %add3A_570, %ge3A_600 : i32
      %convert_element_type3A_602 = arith.extui %ge3A_601 : i1 to i32
      %cond3A_603 = arith.constant 0 : i32
      %cond3A_604 = arith.cmpi ne, %convert_element_type3A_602, %cond3A_603 : i32
      scf.if %cond3A_604 {
        %dma_wait3A_702 = arith.constant 3 : i32
        %dma_wait3A_703 = arith.constant 3 : i32
        %dma_wait3A_704 = arith.constant 0 : i32
        %dma_wait3A_705 = arith.constant 0 : i32
        %dma_wait3A_706 = tpu.memref_slice %arg6[%dma_wait3A_703, %dma_wait3A_704, %dma_wait3A_705] : memref<5x512x32xf32, #tpu.memory_space<vmem>> -> memref<1x512x32xf32, #tpu.memory_space<vmem>>
        %dma_wait3A_707 = tpu.memref_squeeze %dma_wait3A_706 : memref<1x512x32xf32, #tpu.memory_space<vmem>> -> memref<512x32xf32, #tpu.memory_space<vmem>>
        %dma_wait3A_708 = arith.constant 0 : i32
        %dma_wait3A_709 = tpu.memref_slice %arg5[%dma_wait3A_702, %dma_wait3A_708] : memref<10x512xi32, #tpu.memory_space<vmem>> -> memref<1x512xi32, #tpu.memory_space<vmem>>
        %dma_wait3A_710 = tpu.memref_squeeze %dma_wait3A_709 : memref<1x512xi32, #tpu.memory_space<vmem>> -> memref<512xi32, #tpu.memory_space<vmem>>
        %dma_wait3A_711 = arith.constant 0 : i32
        %dma_wait3A_712 = arith.constant 0 : i32
        %dma_wait3A_713 = tpu.memref_slice %arg3[%dma_wait3A_711, %dma_wait3A_712] : memref<1000000x32xf32, #tpu.memory_space<hbm>> -> memref<1000000x32xf32, #tpu.memory_space<hbm>>
        tpu.wait_indirect_dma semaphore(%arg20 : memref<!tpu.dma_semaphore, #tpu.memory_space<semaphore_mem>>) src(%dma_wait3A_713 : memref<1000000x32xf32, #tpu.memory_space<hbm>>) dst(%dma_wait3A_707 : memref<512x32xf32, #tpu.memory_space<vmem>>)
        %sub3A = arith.constant 5 : i32
        %sub3A_714 = arith.subi %add3A_570, %sub3A : i32
        %add3A_715 = arith.constant 1 : i32
        %add3A_716 = arith.addi %sub3A_714, %add3A_715 : i32
        %mul3A_717 = arith.constant 512 : i32
        %mul3A_718 = arith.muli %add3A_716, %mul3A_717 : i32
        %add3A_719 = arith.addi %mul3A_2, %mul3A_718 : i32
        %dma_start3A_720 = arith.constant 3 : i32
        %dma_start3A_721 = arith.constant 0 : i32
        %dma_start3A_722 = arith.constant 0 : i32
        %dma_start3A_723 = tpu.memref_slice %arg6[%dma_start3A_720, %dma_start3A_721, %dma_start3A_722] : memref<5x512x32xf32, #tpu.memory_space<vmem>> -> memref<1x512x32xf32, #tpu.memory_space<vmem>>
        %dma_start3A_724 = tpu.memref_squeeze %dma_start3A_723 : memref<1x512x32xf32, #tpu.memory_space<vmem>> -> memref<512x32xf32, #tpu.memory_space<vmem>>
        %dma_start3A_725 = arith.constant 0 : i32
        %dma_start3A_726 = tpu.memref_slice %arg4[%add3A_719, %dma_start3A_725] : memref<3276800x32xf32, #tpu.memory_space<hbm>> -> memref<512x32xf32, #tpu.memory_space<hbm>>
        %dma_start3A_727 = arith.constant 0 : i32
        %dma_start3A_728 = tpu.memref_slice %arg4[%add3A_719, %dma_start3A_727] : memref<3276800x32xf32, #tpu.memory_space<hbm>> -> memref<512x32xf32, #tpu.memory_space<hbm>>
        %dma_start3A_729 = arith.constant 0 : i32
        %dma_start3A_730 = arith.constant 0 : i32
        %dma_start3A_731 = tpu.memref_slice %arg6[%dma_start3A_720, %dma_start3A_729, %dma_start3A_730] : memref<5x512x32xf32, #tpu.memory_space<vmem>> -> memref<1x512x32xf32, #tpu.memory_space<vmem>>
        %dma_start3A_732 = tpu.memref_squeeze %dma_start3A_731 : memref<1x512x32xf32, #tpu.memory_space<vmem>> -> memref<512x32xf32, #tpu.memory_space<vmem>>
        tpu.enqueue_dma source(%dma_start3A_732 : memref<512x32xf32, #tpu.memory_space<vmem>>) target(%dma_start3A_728 : memref<512x32xf32, #tpu.memory_space<hbm>>) target_semaphore(%arg25 : memref<!tpu.dma_semaphore, #tpu.memory_space<semaphore_mem>>)
      } else {
      }
      %add3A_605 = arith.constant 6 : i32
      %add3A_606 = arith.addi %add3A_570, %add3A_605 : i32
      %lt3A_607 = arith.constant 200 : i32
      %lt3A_608 = arith.cmpi slt, %add3A_606, %lt3A_607 : i32
      %convert_element_type3A_609 = arith.extui %lt3A_608 : i1 to i32
      %cond3A_610 = arith.constant 0 : i32
      %cond3A_611 = arith.cmpi ne, %convert_element_type3A_609, %cond3A_610 : i32
      scf.if %cond3A_611 {
        %add3A_702 = arith.constant 6 : i32
        %add3A_703 = arith.addi %add3A_570, %add3A_702 : i32
        %mul3A_704 = arith.constant 512 : i32
        %mul3A_705 = arith.muli %add3A_703, %mul3A_704 : i32
        %add3A_706 = arith.addi %mul3A_2, %mul3A_705 : i32
        %dma_start3A_707 = arith.constant 3 : i32
        %dma_start3A_708 = arith.constant 0 : i32
        %dma_start3A_709 = tpu.memref_slice %arg5[%dma_start3A_707, %dma_start3A_708] : memref<10x512xi32, #tpu.memory_space<vmem>> -> memref<1x512xi32, #tpu.memory_space<vmem>>
        %dma_start3A_710 = tpu.memref_squeeze %dma_start3A_709 : memref<1x512xi32, #tpu.memory_space<vmem>> -> memref<512xi32, #tpu.memory_space<vmem>>
        %dma_start3A_711 = tpu.memref_slice %arg2[%add3A_706] : memref<3276800xi32, #tpu.memory_space<hbm>> -> memref<512xi32, #tpu.memory_space<hbm>>
        %dma_start3A_712 = arith.constant 0 : i32
        %dma_start3A_713 = tpu.memref_slice %arg5[%dma_start3A_707, %dma_start3A_712] : memref<10x512xi32, #tpu.memory_space<vmem>> -> memref<1x512xi32, #tpu.memory_space<vmem>>
        %dma_start3A_714 = tpu.memref_squeeze %dma_start3A_713 : memref<1x512xi32, #tpu.memory_space<vmem>> -> memref<512xi32, #tpu.memory_space<vmem>>
        %dma_start3A_715 = tpu.memref_slice %arg2[%add3A_706] : memref<3276800xi32, #tpu.memory_space<hbm>> -> memref<512xi32, #tpu.memory_space<hbm>>
        tpu.enqueue_dma source(%dma_start3A_715 : memref<512xi32, #tpu.memory_space<hbm>>) target(%dma_start3A_714 : memref<512xi32, #tpu.memory_space<vmem>>) target_semaphore(%arg10 : memref<!tpu.dma_semaphore, #tpu.memory_space<semaphore_mem>>)
      } else {
      }
      %mul3A_612 = arith.constant 10 : i32
      %mul3A_613 = arith.muli %scan3A_255, %mul3A_612 : i32
      %add3A_614 = arith.constant 8 : i32
      %add3A_615 = arith.addi %mul3A_613, %add3A_614 : i32
      %mul3A_616 = arith.constant 512 : i32
      %mul3A_617 = arith.muli %add3A_615, %mul3A_616 : i32
      %add3A_618 = arith.addi %mul3A_2, %mul3A_617 : i32
      %dma_wait3A_619 = arith.constant 8 : i32
      %dma_wait3A_620 = arith.constant 0 : i32
      %dma_wait3A_621 = tpu.memref_slice %arg5[%dma_wait3A_619, %dma_wait3A_620] : memref<10x512xi32, #tpu.memory_space<vmem>> -> memref<1x512xi32, #tpu.memory_space<vmem>>
      %dma_wait3A_622 = tpu.memref_squeeze %dma_wait3A_621 : memref<1x512xi32, #tpu.memory_space<vmem>> -> memref<512xi32, #tpu.memory_space<vmem>>
      %dma_wait3A_623 = tpu.memref_slice %arg2[%add3A_618] : memref<3276800xi32, #tpu.memory_space<hbm>> -> memref<512xi32, #tpu.memory_space<hbm>>
      %dma_wait3A_624 = arith.constant 0 : i32
      %dma_wait3A_625 = tpu.memref_slice %arg5[%dma_wait3A_619, %dma_wait3A_624] : memref<10x512xi32, #tpu.memory_space<vmem>> -> memref<1x512xi32, #tpu.memory_space<vmem>>
      %dma_wait3A_626 = tpu.memref_squeeze %dma_wait3A_625 : memref<1x512xi32, #tpu.memory_space<vmem>> -> memref<512xi32, #tpu.memory_space<vmem>>
      %dma_wait3A_627 = tpu.memref_slice %arg2[%add3A_618] : memref<3276800xi32, #tpu.memory_space<hbm>> -> memref<512xi32, #tpu.memory_space<hbm>>
      tpu.wait_dma2 semaphore(%arg15 : memref<!tpu.dma_semaphore, #tpu.memory_space<semaphore_mem>>) src(%dma_wait3A_627 : memref<512xi32, #tpu.memory_space<hbm>>) dst(%dma_wait3A_626 : memref<512xi32, #tpu.memory_space<vmem>>)
      %ge3A_628 = arith.constant 5 : i32
      %ge3A_629 = arith.cmpi sge, %add3A_615, %ge3A_628 : i32
      %convert_element_type3A_630 = arith.extui %ge3A_629 : i1 to i32
      %cond3A_631 = arith.constant 0 : i32
      %cond3A_632 = arith.cmpi ne, %convert_element_type3A_630, %cond3A_631 : i32
      scf.if %cond3A_632 {
        %sub3A = arith.constant 5 : i32
        %sub3A_702 = arith.subi %add3A_615, %sub3A : i32
        %mul3A_703 = arith.constant 512 : i32
        %mul3A_704 = arith.muli %sub3A_702, %mul3A_703 : i32
        %add3A_705 = arith.addi %mul3A_2, %mul3A_704 : i32
        %dma_wait3A_706 = arith.constant 3 : i32
        %dma_wait3A_707 = arith.constant 0 : i32
        %dma_wait3A_708 = arith.constant 0 : i32
        %dma_wait3A_709 = tpu.memref_slice %arg6[%dma_wait3A_706, %dma_wait3A_707, %dma_wait3A_708] : memref<5x512x32xf32, #tpu.memory_space<vmem>> -> memref<1x512x32xf32, #tpu.memory_space<vmem>>
        %dma_wait3A_710 = tpu.memref_squeeze %dma_wait3A_709 : memref<1x512x32xf32, #tpu.memory_space<vmem>> -> memref<512x32xf32, #tpu.memory_space<vmem>>
        %dma_wait3A_711 = arith.constant 0 : i32
        %dma_wait3A_712 = tpu.memref_slice %arg4[%add3A_705, %dma_wait3A_711] : memref<3276800x32xf32, #tpu.memory_space<hbm>> -> memref<512x32xf32, #tpu.memory_space<hbm>>
        %dma_wait3A_713 = arith.constant 0 : i32
        %dma_wait3A_714 = tpu.memref_slice %arg4[%add3A_705, %dma_wait3A_713] : memref<3276800x32xf32, #tpu.memory_space<hbm>> -> memref<512x32xf32, #tpu.memory_space<hbm>>
        %dma_wait3A_715 = arith.constant 0 : i32
        %dma_wait3A_716 = arith.constant 0 : i32
        %dma_wait3A_717 = tpu.memref_slice %arg6[%dma_wait3A_706, %dma_wait3A_715, %dma_wait3A_716] : memref<5x512x32xf32, #tpu.memory_space<vmem>> -> memref<1x512x32xf32, #tpu.memory_space<vmem>>
        %dma_wait3A_718 = tpu.memref_squeeze %dma_wait3A_717 : memref<1x512x32xf32, #tpu.memory_space<vmem>> -> memref<512x32xf32, #tpu.memory_space<vmem>>
        tpu.wait_dma2 semaphore(%arg25 : memref<!tpu.dma_semaphore, #tpu.memory_space<semaphore_mem>>) src(%dma_wait3A_718 : memref<512x32xf32, #tpu.memory_space<vmem>>) dst(%dma_wait3A_714 : memref<512x32xf32, #tpu.memory_space<hbm>>)
      } else {
      }
      %dma_start3A_633 = arith.constant 8 : i32
      %dma_start3A_634 = arith.constant 3 : i32
      %dma_start3A_635 = arith.constant 0 : i32
      %dma_start3A_636 = arith.constant 0 : i32
      %dma_start3A_637 = tpu.memref_slice %arg6[%dma_start3A_634, %dma_start3A_635, %dma_start3A_636] : memref<5x512x32xf32, #tpu.memory_space<vmem>> -> memref<1x512x32xf32, #tpu.memory_space<vmem>>
      %dma_start3A_638 = tpu.memref_squeeze %dma_start3A_637 : memref<1x512x32xf32, #tpu.memory_space<vmem>> -> memref<512x32xf32, #tpu.memory_space<vmem>>
      %dma_start3A_639 = arith.constant 0 : i32
      %dma_start3A_640 = tpu.memref_slice %arg5[%dma_start3A_633, %dma_start3A_639] : memref<10x512xi32, #tpu.memory_space<vmem>> -> memref<1x512xi32, #tpu.memory_space<vmem>>
      %dma_start3A_641 = tpu.memref_squeeze %dma_start3A_640 : memref<1x512xi32, #tpu.memory_space<vmem>> -> memref<512xi32, #tpu.memory_space<vmem>>
      %dma_start3A_642 = arith.constant 0 : i32
      %dma_start3A_643 = arith.constant 0 : i32
      %dma_start3A_644 = tpu.memref_slice %arg3[%dma_start3A_642, %dma_start3A_643] : memref<1000000x32xf32, #tpu.memory_space<hbm>> -> memref<1000000x32xf32, #tpu.memory_space<hbm>>
      tpu.enqueue_indirect_dma source(%dma_start3A_644 : memref<1000000x32xf32, #tpu.memory_space<hbm>>) target(%dma_start3A_638 : memref<512x32xf32, #tpu.memory_space<vmem>>) offsets(%dma_start3A_641 : memref<512xi32, #tpu.memory_space<vmem>>) semaphore(%arg20 : memref<!tpu.dma_semaphore, #tpu.memory_space<semaphore_mem>>)
      %ge3A_645 = arith.constant 4 : i32
      %ge3A_646 = arith.cmpi sge, %add3A_615, %ge3A_645 : i32
      %convert_element_type3A_647 = arith.extui %ge3A_646 : i1 to i32
      %cond3A_648 = arith.constant 0 : i32
      %cond3A_649 = arith.cmpi ne, %convert_element_type3A_647, %cond3A_648 : i32
      scf.if %cond3A_649 {
        %dma_wait3A_702 = arith.constant 4 : i32
        %dma_wait3A_703 = arith.constant 4 : i32
        %dma_wait3A_704 = arith.constant 0 : i32
        %dma_wait3A_705 = arith.constant 0 : i32
        %dma_wait3A_706 = tpu.memref_slice %arg6[%dma_wait3A_703, %dma_wait3A_704, %dma_wait3A_705] : memref<5x512x32xf32, #tpu.memory_space<vmem>> -> memref<1x512x32xf32, #tpu.memory_space<vmem>>
        %dma_wait3A_707 = tpu.memref_squeeze %dma_wait3A_706 : memref<1x512x32xf32, #tpu.memory_space<vmem>> -> memref<512x32xf32, #tpu.memory_space<vmem>>
        %dma_wait3A_708 = arith.constant 0 : i32
        %dma_wait3A_709 = tpu.memref_slice %arg5[%dma_wait3A_702, %dma_wait3A_708] : memref<10x512xi32, #tpu.memory_space<vmem>> -> memref<1x512xi32, #tpu.memory_space<vmem>>
        %dma_wait3A_710 = tpu.memref_squeeze %dma_wait3A_709 : memref<1x512xi32, #tpu.memory_space<vmem>> -> memref<512xi32, #tpu.memory_space<vmem>>
        %dma_wait3A_711 = arith.constant 0 : i32
        %dma_wait3A_712 = arith.constant 0 : i32
        %dma_wait3A_713 = tpu.memref_slice %arg3[%dma_wait3A_711, %dma_wait3A_712] : memref<1000000x32xf32, #tpu.memory_space<hbm>> -> memref<1000000x32xf32, #tpu.memory_space<hbm>>
        tpu.wait_indirect_dma semaphore(%arg21 : memref<!tpu.dma_semaphore, #tpu.memory_space<semaphore_mem>>) src(%dma_wait3A_713 : memref<1000000x32xf32, #tpu.memory_space<hbm>>) dst(%dma_wait3A_707 : memref<512x32xf32, #tpu.memory_space<vmem>>)
        %sub3A = arith.constant 5 : i32
        %sub3A_714 = arith.subi %add3A_615, %sub3A : i32
        %add3A_715 = arith.constant 1 : i32
        %add3A_716 = arith.addi %sub3A_714, %add3A_715 : i32
        %mul3A_717 = arith.constant 512 : i32
        %mul3A_718 = arith.muli %add3A_716, %mul3A_717 : i32
        %add3A_719 = arith.addi %mul3A_2, %mul3A_718 : i32
        %dma_start3A_720 = arith.constant 4 : i32
        %dma_start3A_721 = arith.constant 0 : i32
        %dma_start3A_722 = arith.constant 0 : i32
        %dma_start3A_723 = tpu.memref_slice %arg6[%dma_start3A_720, %dma_start3A_721, %dma_start3A_722] : memref<5x512x32xf32, #tpu.memory_space<vmem>> -> memref<1x512x32xf32, #tpu.memory_space<vmem>>
        %dma_start3A_724 = tpu.memref_squeeze %dma_start3A_723 : memref<1x512x32xf32, #tpu.memory_space<vmem>> -> memref<512x32xf32, #tpu.memory_space<vmem>>
        %dma_start3A_725 = arith.constant 0 : i32
        %dma_start3A_726 = tpu.memref_slice %arg4[%add3A_719, %dma_start3A_725] : memref<3276800x32xf32, #tpu.memory_space<hbm>> -> memref<512x32xf32, #tpu.memory_space<hbm>>
        %dma_start3A_727 = arith.constant 0 : i32
        %dma_start3A_728 = tpu.memref_slice %arg4[%add3A_719, %dma_start3A_727] : memref<3276800x32xf32, #tpu.memory_space<hbm>> -> memref<512x32xf32, #tpu.memory_space<hbm>>
        %dma_start3A_729 = arith.constant 0 : i32
        %dma_start3A_730 = arith.constant 0 : i32
        %dma_start3A_731 = tpu.memref_slice %arg6[%dma_start3A_720, %dma_start3A_729, %dma_start3A_730] : memref<5x512x32xf32, #tpu.memory_space<vmem>> -> memref<1x512x32xf32, #tpu.memory_space<vmem>>
        %dma_start3A_732 = tpu.memref_squeeze %dma_start3A_731 : memref<1x512x32xf32, #tpu.memory_space<vmem>> -> memref<512x32xf32, #tpu.memory_space<vmem>>
        tpu.enqueue_dma source(%dma_start3A_732 : memref<512x32xf32, #tpu.memory_space<vmem>>) target(%dma_start3A_728 : memref<512x32xf32, #tpu.memory_space<hbm>>) target_semaphore(%arg26 : memref<!tpu.dma_semaphore, #tpu.memory_space<semaphore_mem>>)
      } else {
      }
      %add3A_650 = arith.constant 6 : i32
      %add3A_651 = arith.addi %add3A_615, %add3A_650 : i32
      %lt3A_652 = arith.constant 200 : i32
      %lt3A_653 = arith.cmpi slt, %add3A_651, %lt3A_652 : i32
      %convert_element_type3A_654 = arith.extui %lt3A_653 : i1 to i32
      %cond3A_655 = arith.constant 0 : i32
      %cond3A_656 = arith.cmpi ne, %convert_element_type3A_654, %cond3A_655 : i32
      scf.if %cond3A_656 {
        %add3A_702 = arith.constant 6 : i32
        %add3A_703 = arith.addi %add3A_615, %add3A_702 : i32
        %mul3A_704 = arith.constant 512 : i32
        %mul3A_705 = arith.muli %add3A_703, %mul3A_704 : i32
        %add3A_706 = arith.addi %mul3A_2, %mul3A_705 : i32
        %dma_start3A_707 = arith.constant 4 : i32
        %dma_start3A_708 = arith.constant 0 : i32
        %dma_start3A_709 = tpu.memref_slice %arg5[%dma_start3A_707, %dma_start3A_708] : memref<10x512xi32, #tpu.memory_space<vmem>> -> memref<1x512xi32, #tpu.memory_space<vmem>>
        %dma_start3A_710 = tpu.memref_squeeze %dma_start3A_709 : memref<1x512xi32, #tpu.memory_space<vmem>> -> memref<512xi32, #tpu.memory_space<vmem>>
        %dma_start3A_711 = tpu.memref_slice %arg2[%add3A_706] : memref<3276800xi32, #tpu.memory_space<hbm>> -> memref<512xi32, #tpu.memory_space<hbm>>
        %dma_start3A_712 = arith.constant 0 : i32
        %dma_start3A_713 = tpu.memref_slice %arg5[%dma_start3A_707, %dma_start3A_712] : memref<10x512xi32, #tpu.memory_space<vmem>> -> memref<1x512xi32, #tpu.memory_space<vmem>>
        %dma_start3A_714 = tpu.memref_squeeze %dma_start3A_713 : memref<1x512xi32, #tpu.memory_space<vmem>> -> memref<512xi32, #tpu.memory_space<vmem>>
        %dma_start3A_715 = tpu.memref_slice %arg2[%add3A_706] : memref<3276800xi32, #tpu.memory_space<hbm>> -> memref<512xi32, #tpu.memory_space<hbm>>
        tpu.enqueue_dma source(%dma_start3A_715 : memref<512xi32, #tpu.memory_space<hbm>>) target(%dma_start3A_714 : memref<512xi32, #tpu.memory_space<vmem>>) target_semaphore(%arg11 : memref<!tpu.dma_semaphore, #tpu.memory_space<semaphore_mem>>)
      } else {
      }
      %mul3A_657 = arith.constant 10 : i32
      %mul3A_658 = arith.muli %scan3A_255, %mul3A_657 : i32
      %add3A_659 = arith.constant 9 : i32
      %add3A_660 = arith.addi %mul3A_658, %add3A_659 : i32
      %mul3A_661 = arith.constant 512 : i32
      %mul3A_662 = arith.muli %add3A_660, %mul3A_661 : i32
      %add3A_663 = arith.addi %mul3A_2, %mul3A_662 : i32
      %dma_wait3A_664 = arith.constant 9 : i32
      %dma_wait3A_665 = arith.constant 0 : i32
      %dma_wait3A_666 = tpu.memref_slice %arg5[%dma_wait3A_664, %dma_wait3A_665] : memref<10x512xi32, #tpu.memory_space<vmem>> -> memref<1x512xi32, #tpu.memory_space<vmem>>
      %dma_wait3A_667 = tpu.memref_squeeze %dma_wait3A_666 : memref<1x512xi32, #tpu.memory_space<vmem>> -> memref<512xi32, #tpu.memory_space<vmem>>
      %dma_wait3A_668 = tpu.memref_slice %arg2[%add3A_663] : memref<3276800xi32, #tpu.memory_space<hbm>> -> memref<512xi32, #tpu.memory_space<hbm>>
      %dma_wait3A_669 = arith.constant 0 : i32
      %dma_wait3A_670 = tpu.memref_slice %arg5[%dma_wait3A_664, %dma_wait3A_669] : memref<10x512xi32, #tpu.memory_space<vmem>> -> memref<1x512xi32, #tpu.memory_space<vmem>>
      %dma_wait3A_671 = tpu.memref_squeeze %dma_wait3A_670 : memref<1x512xi32, #tpu.memory_space<vmem>> -> memref<512xi32, #tpu.memory_space<vmem>>
      %dma_wait3A_672 = tpu.memref_slice %arg2[%add3A_663] : memref<3276800xi32, #tpu.memory_space<hbm>> -> memref<512xi32, #tpu.memory_space<hbm>>
      tpu.wait_dma2 semaphore(%arg16 : memref<!tpu.dma_semaphore, #tpu.memory_space<semaphore_mem>>) src(%dma_wait3A_672 : memref<512xi32, #tpu.memory_space<hbm>>) dst(%dma_wait3A_671 : memref<512xi32, #tpu.memory_space<vmem>>)
      %ge3A_673 = arith.constant 5 : i32
      %ge3A_674 = arith.cmpi sge, %add3A_660, %ge3A_673 : i32
      %convert_element_type3A_675 = arith.extui %ge3A_674 : i1 to i32
      %cond3A_676 = arith.constant 0 : i32
      %cond3A_677 = arith.cmpi ne, %convert_element_type3A_675, %cond3A_676 : i32
      scf.if %cond3A_677 {
        %sub3A = arith.constant 5 : i32
        %sub3A_702 = arith.subi %add3A_660, %sub3A : i32
        %mul3A_703 = arith.constant 512 : i32
        %mul3A_704 = arith.muli %sub3A_702, %mul3A_703 : i32
        %add3A_705 = arith.addi %mul3A_2, %mul3A_704 : i32
        %dma_wait3A_706 = arith.constant 4 : i32
        %dma_wait3A_707 = arith.constant 0 : i32
        %dma_wait3A_708 = arith.constant 0 : i32
        %dma_wait3A_709 = tpu.memref_slice %arg6[%dma_wait3A_706, %dma_wait3A_707, %dma_wait3A_708] : memref<5x512x32xf32, #tpu.memory_space<vmem>> -> memref<1x512x32xf32, #tpu.memory_space<vmem>>
        %dma_wait3A_710 = tpu.memref_squeeze %dma_wait3A_709 : memref<1x512x32xf32, #tpu.memory_space<vmem>> -> memref<512x32xf32, #tpu.memory_space<vmem>>
        %dma_wait3A_711 = arith.constant 0 : i32
        %dma_wait3A_712 = tpu.memref_slice %arg4[%add3A_705, %dma_wait3A_711] : memref<3276800x32xf32, #tpu.memory_space<hbm>> -> memref<512x32xf32, #tpu.memory_space<hbm>>
        %dma_wait3A_713 = arith.constant 0 : i32
        %dma_wait3A_714 = tpu.memref_slice %arg4[%add3A_705, %dma_wait3A_713] : memref<3276800x32xf32, #tpu.memory_space<hbm>> -> memref<512x32xf32, #tpu.memory_space<hbm>>
        %dma_wait3A_715 = arith.constant 0 : i32
        %dma_wait3A_716 = arith.constant 0 : i32
        %dma_wait3A_717 = tpu.memref_slice %arg6[%dma_wait3A_706, %dma_wait3A_715, %dma_wait3A_716] : memref<5x512x32xf32, #tpu.memory_space<vmem>> -> memref<1x512x32xf32, #tpu.memory_space<vmem>>
        %dma_wait3A_718 = tpu.memref_squeeze %dma_wait3A_717 : memref<1x512x32xf32, #tpu.memory_space<vmem>> -> memref<512x32xf32, #tpu.memory_space<vmem>>
        tpu.wait_dma2 semaphore(%arg26 : memref<!tpu.dma_semaphore, #tpu.memory_space<semaphore_mem>>) src(%dma_wait3A_718 : memref<512x32xf32, #tpu.memory_space<vmem>>) dst(%dma_wait3A_714 : memref<512x32xf32, #tpu.memory_space<hbm>>)
      } else {
      }
      %dma_start3A_678 = arith.constant 9 : i32
      %dma_start3A_679 = arith.constant 4 : i32
      %dma_start3A_680 = arith.constant 0 : i32
      %dma_start3A_681 = arith.constant 0 : i32
      %dma_start3A_682 = tpu.memref_slice %arg6[%dma_start3A_679, %dma_start3A_680, %dma_start3A_681] : memref<5x512x32xf32, #tpu.memory_space<vmem>> -> memref<1x512x32xf32, #tpu.memory_space<vmem>>
      %dma_start3A_683 = tpu.memref_squeeze %dma_start3A_682 : memref<1x512x32xf32, #tpu.memory_space<vmem>> -> memref<512x32xf32, #tpu.memory_space<vmem>>
      %dma_start3A_684 = arith.constant 0 : i32
      %dma_start3A_685 = tpu.memref_slice %arg5[%dma_start3A_678, %dma_start3A_684] : memref<10x512xi32, #tpu.memory_space<vmem>> -> memref<1x512xi32, #tpu.memory_space<vmem>>
      %dma_start3A_686 = tpu.memref_squeeze %dma_start3A_685 : memref<1x512xi32, #tpu.memory_space<vmem>> -> memref<512xi32, #tpu.memory_space<vmem>>
      %dma_start3A_687 = arith.constant 0 : i32
      %dma_start3A_688 = arith.constant 0 : i32
      %dma_start3A_689 = tpu.memref_slice %arg3[%dma_start3A_687, %dma_start3A_688] : memref<1000000x32xf32, #tpu.memory_space<hbm>> -> memref<1000000x32xf32, #tpu.memory_space<hbm>>
      tpu.enqueue_indirect_dma source(%dma_start3A_689 : memref<1000000x32xf32, #tpu.memory_space<hbm>>) target(%dma_start3A_683 : memref<512x32xf32, #tpu.memory_space<vmem>>) offsets(%dma_start3A_686 : memref<512xi32, #tpu.memory_space<vmem>>) semaphore(%arg21 : memref<!tpu.dma_semaphore, #tpu.memory_space<semaphore_mem>>)
      %ge3A_690 = arith.constant 4 : i32
      %ge3A_691 = arith.cmpi sge, %add3A_660, %ge3A_690 : i32
      %convert_element_type3A_692 = arith.extui %ge3A_691 : i1 to i32
      %cond3A_693 = arith.constant 0 : i32
      %cond3A_694 = arith.cmpi ne, %convert_element_type3A_692, %cond3A_693 : i32
      scf.if %cond3A_694 {
        %dma_wait3A_702 = arith.constant 5 : i32
        %dma_wait3A_703 = arith.constant 0 : i32
        %dma_wait3A_704 = arith.constant 0 : i32
        %dma_wait3A_705 = arith.constant 0 : i32
        %dma_wait3A_706 = tpu.memref_slice %arg6[%dma_wait3A_703, %dma_wait3A_704, %dma_wait3A_705] : memref<5x512x32xf32, #tpu.memory_space<vmem>> -> memref<1x512x32xf32, #tpu.memory_space<vmem>>
        %dma_wait3A_707 = tpu.memref_squeeze %dma_wait3A_706 : memref<1x512x32xf32, #tpu.memory_space<vmem>> -> memref<512x32xf32, #tpu.memory_space<vmem>>
        %dma_wait3A_708 = arith.constant 0 : i32
        %dma_wait3A_709 = tpu.memref_slice %arg5[%dma_wait3A_702, %dma_wait3A_708] : memref<10x512xi32, #tpu.memory_space<vmem>> -> memref<1x512xi32, #tpu.memory_space<vmem>>
        %dma_wait3A_710 = tpu.memref_squeeze %dma_wait3A_709 : memref<1x512xi32, #tpu.memory_space<vmem>> -> memref<512xi32, #tpu.memory_space<vmem>>
        %dma_wait3A_711 = arith.constant 0 : i32
        %dma_wait3A_712 = arith.constant 0 : i32
        %dma_wait3A_713 = tpu.memref_slice %arg3[%dma_wait3A_711, %dma_wait3A_712] : memref<1000000x32xf32, #tpu.memory_space<hbm>> -> memref<1000000x32xf32, #tpu.memory_space<hbm>>
        tpu.wait_indirect_dma semaphore(%arg17 : memref<!tpu.dma_semaphore, #tpu.memory_space<semaphore_mem>>) src(%dma_wait3A_713 : memref<1000000x32xf32, #tpu.memory_space<hbm>>) dst(%dma_wait3A_707 : memref<512x32xf32, #tpu.memory_space<vmem>>)
        %sub3A = arith.constant 5 : i32
        %sub3A_714 = arith.subi %add3A_660, %sub3A : i32
        %add3A_715 = arith.constant 1 : i32
        %add3A_716 = arith.addi %sub3A_714, %add3A_715 : i32
        %mul3A_717 = arith.constant 512 : i32
        %mul3A_718 = arith.muli %add3A_716, %mul3A_717 : i32
        %add3A_719 = arith.addi %mul3A_2, %mul3A_718 : i32
        %dma_start3A_720 = arith.constant 0 : i32
        %dma_start3A_721 = arith.constant 0 : i32
        %dma_start3A_722 = arith.constant 0 : i32
        %dma_start3A_723 = tpu.memref_slice %arg6[%dma_start3A_720, %dma_start3A_721, %dma_start3A_722] : memref<5x512x32xf32, #tpu.memory_space<vmem>> -> memref<1x512x32xf32, #tpu.memory_space<vmem>>
        %dma_start3A_724 = tpu.memref_squeeze %dma_start3A_723 : memref<1x512x32xf32, #tpu.memory_space<vmem>> -> memref<512x32xf32, #tpu.memory_space<vmem>>
        %dma_start3A_725 = arith.constant 0 : i32
        %dma_start3A_726 = tpu.memref_slice %arg4[%add3A_719, %dma_start3A_725] : memref<3276800x32xf32, #tpu.memory_space<hbm>> -> memref<512x32xf32, #tpu.memory_space<hbm>>
        %dma_start3A_727 = arith.constant 0 : i32
        %dma_start3A_728 = tpu.memref_slice %arg4[%add3A_719, %dma_start3A_727] : memref<3276800x32xf32, #tpu.memory_space<hbm>> -> memref<512x32xf32, #tpu.memory_space<hbm>>
        %dma_start3A_729 = arith.constant 0 : i32
        %dma_start3A_730 = arith.constant 0 : i32
        %dma_start3A_731 = tpu.memref_slice %arg6[%dma_start3A_720, %dma_start3A_729, %dma_start3A_730] : memref<5x512x32xf32, #tpu.memory_space<vmem>> -> memref<1x512x32xf32, #tpu.memory_space<vmem>>
        %dma_start3A_732 = tpu.memref_squeeze %dma_start3A_731 : memref<1x512x32xf32, #tpu.memory_space<vmem>> -> memref<512x32xf32, #tpu.memory_space<vmem>>
        tpu.enqueue_dma source(%dma_start3A_732 : memref<512x32xf32, #tpu.memory_space<vmem>>) target(%dma_start3A_728 : memref<512x32xf32, #tpu.memory_space<hbm>>) target_semaphore(%arg22 : memref<!tpu.dma_semaphore, #tpu.memory_space<semaphore_mem>>)
      } else {
      }
      %add3A_695 = arith.constant 6 : i32
      %add3A_696 = arith.addi %add3A_660, %add3A_695 : i32
      %lt3A_697 = arith.constant 200 : i32
      %lt3A_698 = arith.cmpi slt, %add3A_696, %lt3A_697 : i32
      %convert_element_type3A_699 = arith.extui %lt3A_698 : i1 to i32
      %cond3A_700 = arith.constant 0 : i32
      %cond3A_701 = arith.cmpi ne, %convert_element_type3A_699, %cond3A_700 : i32
      scf.if %cond3A_701 {
        %add3A_702 = arith.constant 6 : i32
        %add3A_703 = arith.addi %add3A_660, %add3A_702 : i32
        %mul3A_704 = arith.constant 512 : i32
        %mul3A_705 = arith.muli %add3A_703, %mul3A_704 : i32
        %add3A_706 = arith.addi %mul3A_2, %mul3A_705 : i32
        %dma_start3A_707 = arith.constant 5 : i32
        %dma_start3A_708 = arith.constant 0 : i32
        %dma_start3A_709 = tpu.memref_slice %arg5[%dma_start3A_707, %dma_start3A_708] : memref<10x512xi32, #tpu.memory_space<vmem>> -> memref<1x512xi32, #tpu.memory_space<vmem>>
        %dma_start3A_710 = tpu.memref_squeeze %dma_start3A_709 : memref<1x512xi32, #tpu.memory_space<vmem>> -> memref<512xi32, #tpu.memory_space<vmem>>
        %dma_start3A_711 = tpu.memref_slice %arg2[%add3A_706] : memref<3276800xi32, #tpu.memory_space<hbm>> -> memref<512xi32, #tpu.memory_space<hbm>>
        %dma_start3A_712 = arith.constant 0 : i32
        %dma_start3A_713 = tpu.memref_slice %arg5[%dma_start3A_707, %dma_start3A_712] : memref<10x512xi32, #tpu.memory_space<vmem>> -> memref<1x512xi32, #tpu.memory_space<vmem>>
        %dma_start3A_714 = tpu.memref_squeeze %dma_start3A_713 : memref<1x512xi32, #tpu.memory_space<vmem>> -> memref<512xi32, #tpu.memory_space<vmem>>
        %dma_start3A_715 = tpu.memref_slice %arg2[%add3A_706] : memref<3276800xi32, #tpu.memory_space<hbm>> -> memref<512xi32, #tpu.memory_space<hbm>>
        tpu.enqueue_dma source(%dma_start3A_715 : memref<512xi32, #tpu.memory_space<hbm>>) target(%dma_start3A_714 : memref<512xi32, #tpu.memory_space<vmem>>) target_semaphore(%arg12 : memref<!tpu.dma_semaphore, #tpu.memory_space<semaphore_mem>>)
      } else {
      }
    }
    %scan3A_72 = arith.constant 20 : i32
    %dma_wait3A = arith.constant 6 : i32
    %dma_wait3A_73 = arith.constant 1 : i32
    %dma_wait3A_74 = arith.constant 0 : i32
    %dma_wait3A_75 = arith.constant 0 : i32
    %dma_wait3A_76 = tpu.memref_slice %arg6[%dma_wait3A_73, %dma_wait3A_74, %dma_wait3A_75] : memref<5x512x32xf32, #tpu.memory_space<vmem>> -> memref<1x512x32xf32, #tpu.memory_space<vmem>>
    %dma_wait3A_77 = tpu.memref_squeeze %dma_wait3A_76 : memref<1x512x32xf32, #tpu.memory_space<vmem>> -> memref<512x32xf32, #tpu.memory_space<vmem>>
    %dma_wait3A_78 = arith.constant 0 : i32
    %dma_wait3A_79 = tpu.memref_slice %arg5[%dma_wait3A, %dma_wait3A_78] : memref<10x512xi32, #tpu.memory_space<vmem>> -> memref<1x512xi32, #tpu.memory_space<vmem>>
    %dma_wait3A_80 = tpu.memref_squeeze %dma_wait3A_79 : memref<1x512xi32, #tpu.memory_space<vmem>> -> memref<512xi32, #tpu.memory_space<vmem>>
    %dma_wait3A_81 = arith.constant 0 : i32
    %dma_wait3A_82 = arith.constant 0 : i32
    %dma_wait3A_83 = tpu.memref_slice %arg3[%dma_wait3A_81, %dma_wait3A_82] : memref<1000000x32xf32, #tpu.memory_space<hbm>> -> memref<1000000x32xf32, #tpu.memory_space<hbm>>
    tpu.wait_indirect_dma semaphore(%arg18 : memref<!tpu.dma_semaphore, #tpu.memory_space<semaphore_mem>>) src(%dma_wait3A_83 : memref<1000000x32xf32, #tpu.memory_space<hbm>>) dst(%dma_wait3A_77 : memref<512x32xf32, #tpu.memory_space<vmem>>)
    %add3A_84 = arith.constant 100352 : i32
    %add3A_85 = arith.addi %mul3A_2, %add3A_84 : i32
    %dma_start3A_86 = arith.constant 1 : i32
    %dma_start3A_87 = arith.constant 0 : i32
    %dma_start3A_88 = arith.constant 0 : i32
    %dma_start3A_89 = tpu.memref_slice %arg6[%dma_start3A_86, %dma_start3A_87, %dma_start3A_88] : memref<5x512x32xf32, #tpu.memory_space<vmem>> -> memref<1x512x32xf32, #tpu.memory_space<vmem>>
    %dma_start3A_90 = tpu.memref_squeeze %dma_start3A_89 : memref<1x512x32xf32, #tpu.memory_space<vmem>> -> memref<512x32xf32, #tpu.memory_space<vmem>>
    %dma_start3A_91 = arith.constant 0 : i32
    %dma_start3A_92 = tpu.memref_slice %arg4[%add3A_85, %dma_start3A_91] : memref<3276800x32xf32, #tpu.memory_space<hbm>> -> memref<512x32xf32, #tpu.memory_space<hbm>>
    %dma_start3A_93 = arith.constant 0 : i32
    %dma_start3A_94 = tpu.memref_slice %arg4[%add3A_85, %dma_start3A_93] : memref<3276800x32xf32, #tpu.memory_space<hbm>> -> memref<512x32xf32, #tpu.memory_space<hbm>>
    %dma_start3A_95 = arith.constant 0 : i32
    %dma_start3A_96 = arith.constant 0 : i32
    %dma_start3A_97 = tpu.memref_slice %arg6[%dma_start3A_86, %dma_start3A_95, %dma_start3A_96] : memref<5x512x32xf32, #tpu.memory_space<vmem>> -> memref<1x512x32xf32, #tpu.memory_space<vmem>>
    %dma_start3A_98 = tpu.memref_squeeze %dma_start3A_97 : memref<1x512x32xf32, #tpu.memory_space<vmem>> -> memref<512x32xf32, #tpu.memory_space<vmem>>
    tpu.enqueue_dma source(%dma_start3A_98 : memref<512x32xf32, #tpu.memory_space<vmem>>) target(%dma_start3A_94 : memref<512x32xf32, #tpu.memory_space<hbm>>) target_semaphore(%arg23 : memref<!tpu.dma_semaphore, #tpu.memory_space<semaphore_mem>>)
    %dma_wait3A_99 = arith.constant 7 : i32
    %dma_wait3A_100 = arith.constant 2 : i32
    %dma_wait3A_101 = arith.constant 0 : i32
    %dma_wait3A_102 = arith.constant 0 : i32
    %dma_wait3A_103 = tpu.memref_slice %arg6[%dma_wait3A_100, %dma_wait3A_101, %dma_wait3A_102] : memref<5x512x32xf32, #tpu.memory_space<vmem>> -> memref<1x512x32xf32, #tpu.memory_space<vmem>>
    %dma_wait3A_104 = tpu.memref_squeeze %dma_wait3A_103 : memref<1x512x32xf32, #tpu.memory_space<vmem>> -> memref<512x32xf32, #tpu.memory_space<vmem>>
    %dma_wait3A_105 = arith.constant 0 : i32
    %dma_wait3A_106 = tpu.memref_slice %arg5[%dma_wait3A_99, %dma_wait3A_105] : memref<10x512xi32, #tpu.memory_space<vmem>> -> memref<1x512xi32, #tpu.memory_space<vmem>>
    %dma_wait3A_107 = tpu.memref_squeeze %dma_wait3A_106 : memref<1x512xi32, #tpu.memory_space<vmem>> -> memref<512xi32, #tpu.memory_space<vmem>>
    %dma_wait3A_108 = arith.constant 0 : i32
    %dma_wait3A_109 = arith.constant 0 : i32
    %dma_wait3A_110 = tpu.memref_slice %arg3[%dma_wait3A_108, %dma_wait3A_109] : memref<1000000x32xf32, #tpu.memory_space<hbm>> -> memref<1000000x32xf32, #tpu.memory_space<hbm>>
    tpu.wait_indirect_dma semaphore(%arg19 : memref<!tpu.dma_semaphore, #tpu.memory_space<semaphore_mem>>) src(%dma_wait3A_110 : memref<1000000x32xf32, #tpu.memory_space<hbm>>) dst(%dma_wait3A_104 : memref<512x32xf32, #tpu.memory_space<vmem>>)
    %add3A_111 = arith.constant 100864 : i32
    %add3A_112 = arith.addi %mul3A_2, %add3A_111 : i32
    %dma_start3A_113 = arith.constant 2 : i32
    %dma_start3A_114 = arith.constant 0 : i32
    %dma_start3A_115 = arith.constant 0 : i32
    %dma_start3A_116 = tpu.memref_slice %arg6[%dma_start3A_113, %dma_start3A_114, %dma_start3A_115] : memref<5x512x32xf32, #tpu.memory_space<vmem>> -> memref<1x512x32xf32, #tpu.memory_space<vmem>>
    %dma_start3A_117 = tpu.memref_squeeze %dma_start3A_116 : memref<1x512x32xf32, #tpu.memory_space<vmem>> -> memref<512x32xf32, #tpu.memory_space<vmem>>
    %dma_start3A_118 = arith.constant 0 : i32
    %dma_start3A_119 = tpu.memref_slice %arg4[%add3A_112, %dma_start3A_118] : memref<3276800x32xf32, #tpu.memory_space<hbm>> -> memref<512x32xf32, #tpu.memory_space<hbm>>
    %dma_start3A_120 = arith.constant 0 : i32
    %dma_start3A_121 = tpu.memref_slice %arg4[%add3A_112, %dma_start3A_120] : memref<3276800x32xf32, #tpu.memory_space<hbm>> -> memref<512x32xf32, #tpu.memory_space<hbm>>
    %dma_start3A_122 = arith.constant 0 : i32
    %dma_start3A_123 = arith.constant 0 : i32
    %dma_start3A_124 = tpu.memref_slice %arg6[%dma_start3A_113, %dma_start3A_122, %dma_start3A_123] : memref<5x512x32xf32, #tpu.memory_space<vmem>> -> memref<1x512x32xf32, #tpu.memory_space<vmem>>
    %dma_start3A_125 = tpu.memref_squeeze %dma_start3A_124 : memref<1x512x32xf32, #tpu.memory_space<vmem>> -> memref<512x32xf32, #tpu.memory_space<vmem>>
    tpu.enqueue_dma source(%dma_start3A_125 : memref<512x32xf32, #tpu.memory_space<vmem>>) target(%dma_start3A_121 : memref<512x32xf32, #tpu.memory_space<hbm>>) target_semaphore(%arg24 : memref<!tpu.dma_semaphore, #tpu.memory_space<semaphore_mem>>)
    %dma_wait3A_126 = arith.constant 8 : i32
    %dma_wait3A_127 = arith.constant 3 : i32
    %dma_wait3A_128 = arith.constant 0 : i32
    %dma_wait3A_129 = arith.constant 0 : i32
    %dma_wait3A_130 = tpu.memref_slice %arg6[%dma_wait3A_127, %dma_wait3A_128, %dma_wait3A_129] : memref<5x512x32xf32, #tpu.memory_space<vmem>> -> memref<1x512x32xf32, #tpu.memory_space<vmem>>
    %dma_wait3A_131 = tpu.memref_squeeze %dma_wait3A_130 : memref<1x512x32xf32, #tpu.memory_space<vmem>> -> memref<512x32xf32, #tpu.memory_space<vmem>>
    %dma_wait3A_132 = arith.constant 0 : i32
    %dma_wait3A_133 = tpu.memref_slice %arg5[%dma_wait3A_126, %dma_wait3A_132] : memref<10x512xi32, #tpu.memory_space<vmem>> -> memref<1x512xi32, #tpu.memory_space<vmem>>
    %dma_wait3A_134 = tpu.memref_squeeze %dma_wait3A_133 : memref<1x512xi32, #tpu.memory_space<vmem>> -> memref<512xi32, #tpu.memory_space<vmem>>
    %dma_wait3A_135 = arith.constant 0 : i32
    %dma_wait3A_136 = arith.constant 0 : i32
    %dma_wait3A_137 = tpu.memref_slice %arg3[%dma_wait3A_135, %dma_wait3A_136] : memref<1000000x32xf32, #tpu.memory_space<hbm>> -> memref<1000000x32xf32, #tpu.memory_space<hbm>>
    tpu.wait_indirect_dma semaphore(%arg20 : memref<!tpu.dma_semaphore, #tpu.memory_space<semaphore_mem>>) src(%dma_wait3A_137 : memref<1000000x32xf32, #tpu.memory_space<hbm>>) dst(%dma_wait3A_131 : memref<512x32xf32, #tpu.memory_space<vmem>>)
    %add3A_138 = arith.constant 101376 : i32
    %add3A_139 = arith.addi %mul3A_2, %add3A_138 : i32
    %dma_start3A_140 = arith.constant 3 : i32
    %dma_start3A_141 = arith.constant 0 : i32
    %dma_start3A_142 = arith.constant 0 : i32
    %dma_start3A_143 = tpu.memref_slice %arg6[%dma_start3A_140, %dma_start3A_141, %dma_start3A_142] : memref<5x512x32xf32, #tpu.memory_space<vmem>> -> memref<1x512x32xf32, #tpu.memory_space<vmem>>
    %dma_start3A_144 = tpu.memref_squeeze %dma_start3A_143 : memref<1x512x32xf32, #tpu.memory_space<vmem>> -> memref<512x32xf32, #tpu.memory_space<vmem>>
    %dma_start3A_145 = arith.constant 0 : i32
    %dma_start3A_146 = tpu.memref_slice %arg4[%add3A_139, %dma_start3A_145] : memref<3276800x32xf32, #tpu.memory_space<hbm>> -> memref<512x32xf32, #tpu.memory_space<hbm>>
    %dma_start3A_147 = arith.constant 0 : i32
    %dma_start3A_148 = tpu.memref_slice %arg4[%add3A_139, %dma_start3A_147] : memref<3276800x32xf32, #tpu.memory_space<hbm>> -> memref<512x32xf32, #tpu.memory_space<hbm>>
    %dma_start3A_149 = arith.constant 0 : i32
    %dma_start3A_150 = arith.constant 0 : i32
    %dma_start3A_151 = tpu.memref_slice %arg6[%dma_start3A_140, %dma_start3A_149, %dma_start3A_150] : memref<5x512x32xf32, #tpu.memory_space<vmem>> -> memref<1x512x32xf32, #tpu.memory_space<vmem>>
    %dma_start3A_152 = tpu.memref_squeeze %dma_start3A_151 : memref<1x512x32xf32, #tpu.memory_space<vmem>> -> memref<512x32xf32, #tpu.memory_space<vmem>>
    tpu.enqueue_dma source(%dma_start3A_152 : memref<512x32xf32, #tpu.memory_space<vmem>>) target(%dma_start3A_148 : memref<512x32xf32, #tpu.memory_space<hbm>>) target_semaphore(%arg25 : memref<!tpu.dma_semaphore, #tpu.memory_space<semaphore_mem>>)
    %dma_wait3A_153 = arith.constant 9 : i32
    %dma_wait3A_154 = arith.constant 4 : i32
    %dma_wait3A_155 = arith.constant 0 : i32
    %dma_wait3A_156 = arith.constant 0 : i32
    %dma_wait3A_157 = tpu.memref_slice %arg6[%dma_wait3A_154, %dma_wait3A_155, %dma_wait3A_156] : memref<5x512x32xf32, #tpu.memory_space<vmem>> -> memref<1x512x32xf32, #tpu.memory_space<vmem>>
    %dma_wait3A_158 = tpu.memref_squeeze %dma_wait3A_157 : memref<1x512x32xf32, #tpu.memory_space<vmem>> -> memref<512x32xf32, #tpu.memory_space<vmem>>
    %dma_wait3A_159 = arith.constant 0 : i32
    %dma_wait3A_160 = tpu.memref_slice %arg5[%dma_wait3A_153, %dma_wait3A_159] : memref<10x512xi32, #tpu.memory_space<vmem>> -> memref<1x512xi32, #tpu.memory_space<vmem>>
    %dma_wait3A_161 = tpu.memref_squeeze %dma_wait3A_160 : memref<1x512xi32, #tpu.memory_space<vmem>> -> memref<512xi32, #tpu.memory_space<vmem>>
    %dma_wait3A_162 = arith.constant 0 : i32
    %dma_wait3A_163 = arith.constant 0 : i32
    %dma_wait3A_164 = tpu.memref_slice %arg3[%dma_wait3A_162, %dma_wait3A_163] : memref<1000000x32xf32, #tpu.memory_space<hbm>> -> memref<1000000x32xf32, #tpu.memory_space<hbm>>
    tpu.wait_indirect_dma semaphore(%arg21 : memref<!tpu.dma_semaphore, #tpu.memory_space<semaphore_mem>>) src(%dma_wait3A_164 : memref<1000000x32xf32, #tpu.memory_space<hbm>>) dst(%dma_wait3A_158 : memref<512x32xf32, #tpu.memory_space<vmem>>)
    %add3A_165 = arith.constant 101888 : i32
    %add3A_166 = arith.addi %mul3A_2, %add3A_165 : i32
    %dma_start3A_167 = arith.constant 4 : i32
    %dma_start3A_168 = arith.constant 0 : i32
    %dma_start3A_169 = arith.constant 0 : i32
    %dma_start3A_170 = tpu.memref_slice %arg6[%dma_start3A_167, %dma_start3A_168, %dma_start3A_169] : memref<5x512x32xf32, #tpu.memory_space<vmem>> -> memref<1x512x32xf32, #tpu.memory_space<vmem>>
    %dma_start3A_171 = tpu.memref_squeeze %dma_start3A_170 : memref<1x512x32xf32, #tpu.memory_space<vmem>> -> memref<512x32xf32, #tpu.memory_space<vmem>>
    %dma_start3A_172 = arith.constant 0 : i32
    %dma_start3A_173 = tpu.memref_slice %arg4[%add3A_166, %dma_start3A_172] : memref<3276800x32xf32, #tpu.memory_space<hbm>> -> memref<512x32xf32, #tpu.memory_space<hbm>>
    %dma_start3A_174 = arith.constant 0 : i32
    %dma_start3A_175 = tpu.memref_slice %arg4[%add3A_166, %dma_start3A_174] : memref<3276800x32xf32, #tpu.memory_space<hbm>> -> memref<512x32xf32, #tpu.memory_space<hbm>>
    %dma_start3A_176 = arith.constant 0 : i32
    %dma_start3A_177 = arith.constant 0 : i32
    %dma_start3A_178 = tpu.memref_slice %arg6[%dma_start3A_167, %dma_start3A_176, %dma_start3A_177] : memref<5x512x32xf32, #tpu.memory_space<vmem>> -> memref<1x512x32xf32, #tpu.memory_space<vmem>>
    %dma_start3A_179 = tpu.memref_squeeze %dma_start3A_178 : memref<1x512x32xf32, #tpu.memory_space<vmem>> -> memref<512x32xf32, #tpu.memory_space<vmem>>
    tpu.enqueue_dma source(%dma_start3A_179 : memref<512x32xf32, #tpu.memory_space<vmem>>) target(%dma_start3A_175 : memref<512x32xf32, #tpu.memory_space<hbm>>) target_semaphore(%arg26 : memref<!tpu.dma_semaphore, #tpu.memory_space<semaphore_mem>>)
    %add3A_180 = arith.constant 99840 : i32
    %add3A_181 = arith.addi %mul3A_2, %add3A_180 : i32
    %dma_wait3A_182 = arith.constant 0 : i32
    %dma_wait3A_183 = arith.constant 0 : i32
    %dma_wait3A_184 = arith.constant 0 : i32
    %dma_wait3A_185 = tpu.memref_slice %arg6[%dma_wait3A_182, %dma_wait3A_183, %dma_wait3A_184] : memref<5x512x32xf32, #tpu.memory_space<vmem>> -> memref<1x512x32xf32, #tpu.memory_space<vmem>>
    %dma_wait3A_186 = tpu.memref_squeeze %dma_wait3A_185 : memref<1x512x32xf32, #tpu.memory_space<vmem>> -> memref<512x32xf32, #tpu.memory_space<vmem>>
    %dma_wait3A_187 = arith.constant 0 : i32
    %dma_wait3A_188 = tpu.memref_slice %arg4[%add3A_181, %dma_wait3A_187] : memref<3276800x32xf32, #tpu.memory_space<hbm>> -> memref<512x32xf32, #tpu.memory_space<hbm>>
    %dma_wait3A_189 = arith.constant 0 : i32
    %dma_wait3A_190 = tpu.memref_slice %arg4[%add3A_181, %dma_wait3A_189] : memref<3276800x32xf32, #tpu.memory_space<hbm>> -> memref<512x32xf32, #tpu.memory_space<hbm>>
    %dma_wait3A_191 = arith.constant 0 : i32
    %dma_wait3A_192 = arith.constant 0 : i32
    %dma_wait3A_193 = tpu.memref_slice %arg6[%dma_wait3A_182, %dma_wait3A_191, %dma_wait3A_192] : memref<5x512x32xf32, #tpu.memory_space<vmem>> -> memref<1x512x32xf32, #tpu.memory_space<vmem>>
    %dma_wait3A_194 = tpu.memref_squeeze %dma_wait3A_193 : memref<1x512x32xf32, #tpu.memory_space<vmem>> -> memref<512x32xf32, #tpu.memory_space<vmem>>
    tpu.wait_dma2 semaphore(%arg22 : memref<!tpu.dma_semaphore, #tpu.memory_space<semaphore_mem>>) src(%dma_wait3A_194 : memref<512x32xf32, #tpu.memory_space<vmem>>) dst(%dma_wait3A_190 : memref<512x32xf32, #tpu.memory_space<hbm>>)
    %add3A_195 = arith.constant 100352 : i32
    %add3A_196 = arith.addi %mul3A_2, %add3A_195 : i32
    %dma_wait3A_197 = arith.constant 1 : i32
    %dma_wait3A_198 = arith.constant 0 : i32
    %dma_wait3A_199 = arith.constant 0 : i32
    %dma_wait3A_200 = tpu.memref_slice %arg6[%dma_wait3A_197, %dma_wait3A_198, %dma_wait3A_199] : memref<5x512x32xf32, #tpu.memory_space<vmem>> -> memref<1x512x32xf32, #tpu.memory_space<vmem>>
    %dma_wait3A_201 = tpu.memref_squeeze %dma_wait3A_200 : memref<1x512x32xf32, #tpu.memory_space<vmem>> -> memref<512x32xf32, #tpu.memory_space<vmem>>
    %dma_wait3A_202 = arith.constant 0 : i32
    %dma_wait3A_203 = tpu.memref_slice %arg4[%add3A_196, %dma_wait3A_202] : memref<3276800x32xf32, #tpu.memory_space<hbm>> -> memref<512x32xf32, #tpu.memory_space<hbm>>
    %dma_wait3A_204 = arith.constant 0 : i32
    %dma_wait3A_205 = tpu.memref_slice %arg4[%add3A_196, %dma_wait3A_204] : memref<3276800x32xf32, #tpu.memory_space<hbm>> -> memref<512x32xf32, #tpu.memory_space<hbm>>
    %dma_wait3A_206 = arith.constant 0 : i32
    %dma_wait3A_207 = arith.constant 0 : i32
    %dma_wait3A_208 = tpu.memref_slice %arg6[%dma_wait3A_197, %dma_wait3A_206, %dma_wait3A_207] : memref<5x512x32xf32, #tpu.memory_space<vmem>> -> memref<1x512x32xf32, #tpu.memory_space<vmem>>
    %dma_wait3A_209 = tpu.memref_squeeze %dma_wait3A_208 : memref<1x512x32xf32, #tpu.memory_space<vmem>> -> memref<512x32xf32, #tpu.memory_space<vmem>>
    tpu.wait_dma2 semaphore(%arg23 : memref<!tpu.dma_semaphore, #tpu.memory_space<semaphore_mem>>) src(%dma_wait3A_209 : memref<512x32xf32, #tpu.memory_space<vmem>>) dst(%dma_wait3A_205 : memref<512x32xf32, #tpu.memory_space<hbm>>)
    %add3A_210 = arith.constant 100864 : i32
    %add3A_211 = arith.addi %mul3A_2, %add3A_210 : i32
    %dma_wait3A_212 = arith.constant 2 : i32
    %dma_wait3A_213 = arith.constant 0 : i32
    %dma_wait3A_214 = arith.constant 0 : i32
    %dma_wait3A_215 = tpu.memref_slice %arg6[%dma_wait3A_212, %dma_wait3A_213, %dma_wait3A_214] : memref<5x512x32xf32, #tpu.memory_space<vmem>> -> memref<1x512x32xf32, #tpu.memory_space<vmem>>
    %dma_wait3A_216 = tpu.memref_squeeze %dma_wait3A_215 : memref<1x512x32xf32, #tpu.memory_space<vmem>> -> memref<512x32xf32, #tpu.memory_space<vmem>>
    %dma_wait3A_217 = arith.constant 0 : i32
    %dma_wait3A_218 = tpu.memref_slice %arg4[%add3A_211, %dma_wait3A_217] : memref<3276800x32xf32, #tpu.memory_space<hbm>> -> memref<512x32xf32, #tpu.memory_space<hbm>>
    %dma_wait3A_219 = arith.constant 0 : i32
    %dma_wait3A_220 = tpu.memref_slice %arg4[%add3A_211, %dma_wait3A_219] : memref<3276800x32xf32, #tpu.memory_space<hbm>> -> memref<512x32xf32, #tpu.memory_space<hbm>>
    %dma_wait3A_221 = arith.constant 0 : i32
    %dma_wait3A_222 = arith.constant 0 : i32
    %dma_wait3A_223 = tpu.memref_slice %arg6[%dma_wait3A_212, %dma_wait3A_221, %dma_wait3A_222] : memref<5x512x32xf32, #tpu.memory_space<vmem>> -> memref<1x512x32xf32, #tpu.memory_space<vmem>>
    %dma_wait3A_224 = tpu.memref_squeeze %dma_wait3A_223 : memref<1x512x32xf32, #tpu.memory_space<vmem>> -> memref<512x32xf32, #tpu.memory_space<vmem>>
    tpu.wait_dma2 semaphore(%arg24 : memref<!tpu.dma_semaphore, #tpu.memory_space<semaphore_mem>>) src(%dma_wait3A_224 : memref<512x32xf32, #tpu.memory_space<vmem>>) dst(%dma_wait3A_220 : memref<512x32xf32, #tpu.memory_space<hbm>>)
    %add3A_225 = arith.constant 101376 : i32
    %add3A_226 = arith.addi %mul3A_2, %add3A_225 : i32
    %dma_wait3A_227 = arith.constant 3 : i32
    %dma_wait3A_228 = arith.constant 0 : i32
    %dma_wait3A_229 = arith.constant 0 : i32
    %dma_wait3A_230 = tpu.memref_slice %arg6[%dma_wait3A_227, %dma_wait3A_228, %dma_wait3A_229] : memref<5x512x32xf32, #tpu.memory_space<vmem>> -> memref<1x512x32xf32, #tpu.memory_space<vmem>>
    %dma_wait3A_231 = tpu.memref_squeeze %dma_wait3A_230 : memref<1x512x32xf32, #tpu.memory_space<vmem>> -> memref<512x32xf32, #tpu.memory_space<vmem>>
    %dma_wait3A_232 = arith.constant 0 : i32
    %dma_wait3A_233 = tpu.memref_slice %arg4[%add3A_226, %dma_wait3A_232] : memref<3276800x32xf32, #tpu.memory_space<hbm>> -> memref<512x32xf32, #tpu.memory_space<hbm>>
    %dma_wait3A_234 = arith.constant 0 : i32
    %dma_wait3A_235 = tpu.memref_slice %arg4[%add3A_226, %dma_wait3A_234] : memref<3276800x32xf32, #tpu.memory_space<hbm>> -> memref<512x32xf32, #tpu.memory_space<hbm>>
    %dma_wait3A_236 = arith.constant 0 : i32
    %dma_wait3A_237 = arith.constant 0 : i32
    %dma_wait3A_238 = tpu.memref_slice %arg6[%dma_wait3A_227, %dma_wait3A_236, %dma_wait3A_237] : memref<5x512x32xf32, #tpu.memory_space<vmem>> -> memref<1x512x32xf32, #tpu.memory_space<vmem>>
    %dma_wait3A_239 = tpu.memref_squeeze %dma_wait3A_238 : memref<1x512x32xf32, #tpu.memory_space<vmem>> -> memref<512x32xf32, #tpu.memory_space<vmem>>
    tpu.wait_dma2 semaphore(%arg25 : memref<!tpu.dma_semaphore, #tpu.memory_space<semaphore_mem>>) src(%dma_wait3A_239 : memref<512x32xf32, #tpu.memory_space<vmem>>) dst(%dma_wait3A_235 : memref<512x32xf32, #tpu.memory_space<hbm>>)
    %add3A_240 = arith.constant 101888 : i32
    %add3A_241 = arith.addi %mul3A_2, %add3A_240 : i32
    %dma_wait3A_242 = arith.constant 4 : i32
    %dma_wait3A_243 = arith.constant 0 : i32
    %dma_wait3A_244 = arith.constant 0 : i32
    %dma_wait3A_245 = tpu.memref_slice %arg6[%dma_wait3A_242, %dma_wait3A_243, %dma_wait3A_244] : memref<5x512x32xf32, #tpu.memory_space<vmem>> -> memref<1x512x32xf32, #tpu.memory_space<vmem>>
    %dma_wait3A_246 = tpu.memref_squeeze %dma_wait3A_245 : memref<1x512x32xf32, #tpu.memory_space<vmem>> -> memref<512x32xf32, #tpu.memory_space<vmem>>
    %dma_wait3A_247 = arith.constant 0 : i32
    %dma_wait3A_248 = tpu.memref_slice %arg4[%add3A_241, %dma_wait3A_247] : memref<3276800x32xf32, #tpu.memory_space<hbm>> -> memref<512x32xf32, #tpu.memory_space<hbm>>
    %dma_wait3A_249 = arith.constant 0 : i32
    %dma_wait3A_250 = tpu.memref_slice %arg4[%add3A_241, %dma_wait3A_249] : memref<3276800x32xf32, #tpu.memory_space<hbm>> -> memref<512x32xf32, #tpu.memory_space<hbm>>
    %dma_wait3A_251 = arith.constant 0 : i32
    %dma_wait3A_252 = arith.constant 0 : i32
    %dma_wait3A_253 = tpu.memref_slice %arg6[%dma_wait3A_242, %dma_wait3A_251, %dma_wait3A_252] : memref<5x512x32xf32, #tpu.memory_space<vmem>> -> memref<1x512x32xf32, #tpu.memory_space<vmem>>
    %dma_wait3A_254 = tpu.memref_squeeze %dma_wait3A_253 : memref<1x512x32xf32, #tpu.memory_space<vmem>> -> memref<512x32xf32, #tpu.memory_space<vmem>>
    tpu.wait_dma2 semaphore(%arg26 : memref<!tpu.dma_semaphore, #tpu.memory_space<semaphore_mem>>) src(%dma_wait3A_254 : memref<512x32xf32, #tpu.memory_space<vmem>>) dst(%dma_wait3A_250 : memref<512x32xf32, #tpu.memory_space<hbm>>)
    return
  }
}

</mosaic_0001>

<sc_bundles>
// kernel: kernel.3.cloned.1.call-start
scs
__scs_entry_jumppad:
0x0: {  	(pc) =	sbr.rel $0x88, $3  }
0x1: {  	(tag) =	ssettag $0x0;
	lr =	simm.s32 $0x1  }
0x2: {  	[smem:$0x3F9F] =	sst lr;
	_ =	strace $0xD0000000  }
0x3: {  	_ = 	snop  }
0x4: {  	_ = 	snop  }
0x5: {  	_ = 	snop  }
0x6: {  	_ = 	snop  }
0x7: {  	_ = 	snop  }
__scs_overlays_trampoline_lowered:
0x8: {  	[smem:$0x3FAE] =	sst s0  }
0x9: {  	[smem:$0x3FAF] =	sst s1  }
0xa: {  	[smem:$0x3FB0] =	sst s2  }
0xb: {  	[smem:$0x3FB1] =	sst s3  }
0xc: {  	[smem:$0x3FB2] =	sst s4  }
0xd: {  	[smem:$0x3FB3] =	sst s5  }
0xe: {  	[smem:$0x3FB4] =	sst s6  }
0xf: {  	[smem:$0x3FB5] =	sst s7  }
0x10: {  	[smem:$0x3FB6] =	sst s8  }
0x11: {  	[smem:$0x3FB7] =	sst s9;
	s0 =	simm.s32 @!p0 $0x0  }
0x12: {  	s1 =	sld [smem:$0x3F9D];
	s0 =	simm.s32 @p0 $0x1  }
0x13: {  	[smem:$0x3FB8] =	sst s0;
	s0 =	simm.s32 @!p1 $0x0  }
0x14: {  	s2 =	sld [smem:$0x3F9C];
	s0 =	simm.s32 @p1 $0x1  }
0x15: {  	[smem:$0x3FB9] =	sst s0;
	s0 =	simm.s32 @!p2 $0x0  }
0x16: {  	s3 =	sld [smem:$0x3FDB];
	s0 =	simm.s32 @p2 $0x1  }
0x17: {  	s4 =	simm.s32 $0x1BF5;
	[smem:$0x3FBB] =	sst s0  }
0x18: {  	s0 =	sld [smem:$0x3F9E];
	_ =	swait.ge [sflag:s4], $0x0  }
0x19: {  	s7 =	sld [smem:$0x3F9F]  }
0x1a: {  	s8 =	sadd.s32 $0xFFFFE003, lr  }
0x1b: {  	s9 =	sadd.s32 $0xFFFFFEF7, lr;
	s5 =	simm.s32 $0xFFFFFFFF;
	p2 =	slt.u32 s8, $0xFFFFF086  }
0x1c: {  	p1 =	slt.u32 s9, $0xF7A;
	s5 =	simm.s32 @!p2 $0x0  }
0x1d: {  	s5 =	simm.s32 @p1 $0x1;
	p0 =	seq.s32 s7, s2  }
0x1e: {  	s7 =	smul.u32 @!p0 $0xF7A, s2;
	p2 =	seq.s32 @!p0 s5, $0x0  }
0x1f: {  	s9 =	smul.u32 $0xF7A, s1;
	s8 =	simm.s32 @!p0 $0x1BF5;
	p2 =	por !p2, p0  }
0x20: {  	[sflag:s8] =	ssyncset.s32 @!p0 $0xFFFFF086;
	s6 =	sadd.s32 @!p0 s3, s7;
	s7 =	simm.s32 @!p0 $0x108  }
0x21: {  	s3 =	sadd.s32 s3, s9;
	s6 =	sadd.s32 @!p0 $0x88, s6;
	s7 =	simm.s32 @p2 $0x1082  }
0x22: {  	[simem:s7], [sflag:s8] =	dma.local @!p0 [hbm:s6], $0xF7A  }
0x23: {  	s9 =	sor.u32 $0xD0000000, s2;
	s6 =	simm.s32 $0x108;
	_ =	swait.ge @!p0 [sflag:s8], $0x0  }
0x24: {  	s3 =	sadd.s32 $0x88, s3;
	s6 =	simm.s32 @!p1 $0x1082;
	[sflag:s4] =	ssyncset.s32 $0xFFFFF086  }
0x25: {  	[simem:s6], [sflag:s4] =	dma.local [hbm:s3], $0xF7A  }
0x26: {  	[smem:$0x3F9F] =	sst s1;
	(tag) =	ssettag s2;
	_ =	strace s9  }
0x27: {  	s1 =	sld [smem:$0x3FAF]  }
0x28: {  	s2 =	sld [smem:$0x3FB0]  }
0x29: {  	s4 =	sld [smem:$0x3FB2]  }
0x2a: {  	p0 =	seq.s32 s5, $0x0;
	s5 =	sld [smem:$0x3FB3]  }
0x2b: {  	s6 =	sld [smem:$0x3FB4]  }
0x2c: {  	s7 =	sld [smem:$0x3FB5]  }
0x2d: {  	s3 =	simm.s32 $0x108;
	s8 =	sld [smem:$0x3FB6]  }
0x2e: {  	s3 =	simm.s32 @!p0 $0x1082;
	s9 =	sld [smem:$0x3FB7]  }
0x2f: {  	lr =	sadd.s32 s0, s3;
	s0 =	sld [smem:$0x3FAE]  }
0x30: {  	s3 =	sld [smem:$0x3FB1]  }
0x31: {  	[smem:$0x3FBA] =	sst s10  }
0x32: {  	s10 =	sld [smem:$0x3FB8];
	_ =	sdelay $0x3  }
0x33: {  	p0 =	seq.s32 s10, $0x1;
	s10 =	sld [smem:$0x3FBA];
	_ =	sdelay $0x3  }
0x34: {  	[smem:$0x3FBA] =	sst s10  }
0x35: {  	s10 =	sld [smem:$0x3FB9];
	_ =	sdelay $0x3  }
0x36: {  	p1 =	seq.s32 s10, $0x1;
	s10 =	sld [smem:$0x3FBA];
	_ =	sdelay $0x3  }
0x37: {  	[smem:$0x3FBA] =	sst s10  }
0x38: {  	s10 =	sld [smem:$0x3FBB]  }
0x39: {  	_ = 	snop;
	(pc) =	sbr.ind lr, $3  }
0x3a: {  	_ = 	snop  }
0x3b: {  	_ = 	snop  }
0x3c: {  	p2 =	seq.s32 s10, $0x1;
	s10 =	sld [smem:$0x3FBA]  }
0x3d: {  	_ =	shalt  }
0x3e: {  	_ =	shalt  }
0x3f: {  	_ =	shalt  }
0x40: {  	_ =	shalt  }
0x41: {  	_ =	shalt  }
0x42: {  	_ =	shalt  }
0x43: {  	_ =	shalt  }
0x44: {  	_ =	shalt  }
0x45: {  	_ =	shalt  }
0x46: {  	_ =	shalt  }
0x47: {  	_ =	shalt  }
0x48: {  	_ =	shalt  }
0x49: {  	_ =	shalt  }
0x4a: {  	_ =	shalt  }
0x4b: {  	_ =	shalt  }
0x4c: {  	_ =	shalt  }
0x4d: {  	_ =	shalt  }
0x4e: {  	_ =	shalt  }
0x4f: {  	_ =	shalt  }
0x50: {  	_ =	shalt  }
0x51: {  	_ =	shalt  }
0x52: {  	_ =	shalt  }
0x53: {  	_ =	shalt  }
0x54: {  	_ =	shalt  }
0x55: {  	_ =	shalt  }
0x56: {  	_ =	shalt  }
0x57: {  	_ =	shalt  }
0x58: {  	_ =	shalt  }
0x59: {  	_ =	shalt  }
0x5a: {  	_ =	shalt  }
0x5b: {  	_ =	shalt  }
0x5c: {  	_ =	shalt  }
0x5d: {  	_ =	shalt  }
0x5e: {  	_ =	shalt  }
0x5f: {  	_ =	shalt  }
0x60: {  	_ =	shalt  }
0x61: {  	_ =	shalt  }
0x62: {  	_ =	shalt  }
0x63: {  	_ =	shalt  }
0x64: {  	_ =	shalt  }
0x65: {  	_ =	shalt  }
0x66: {  	_ =	shalt  }
0x67: {  	_ =	shalt  }
0x68: {  	_ =	shalt  }
0x69: {  	_ =	shalt  }
0x6a: {  	_ =	shalt  }
0x6b: {  	_ =	shalt  }
0x6c: {  	_ =	shalt  }
0x6d: {  	_ =	shalt  }
0x6e: {  	_ =	shalt  }
0x6f: {  	_ =	shalt  }
0x70: {  	_ =	shalt  }
0x71: {  	_ =	shalt  }
0x72: {  	_ =	shalt  }
0x73: {  	_ =	shalt  }
0x74: {  	_ =	shalt  }
0x75: {  	_ =	shalt  }
0x76: {  	_ =	shalt  }
0x77: {  	_ =	shalt  }
0x78: {  	_ =	shalt  }
0x79: {  	_ =	shalt  }
0x7a: {  	_ =	shalt  }
0x7b: {  	_ =	shalt  }
0x7c: {  	_ =	shalt  }
0x7d: {  	_ =	shalt  }
0x7e: {  	_ =	shalt  }
0x7f: {  	_ =	shalt  }
0x80: {  	_ =	shalt  }
0x81: {  	_ =	shalt  }
0x82: {  	_ =	shalt  }
0x83: {  	_ =	shalt  }
0x84: {  	_ =	shalt  }
0x85: {  	_ =	shalt  }
0x86: {  	_ =	shalt  }
0x87: {  	_ =	shalt  }
.Lfunc_end0:
.L_simem_size_0:
called_computation.1_lowered:
.L_overlay_start_0:
0x88: {  	s2 =	sld [smem:$0x3FD9]  }
0x89: {  	s3 =	sld [smem:$0x3FFE];
	_ =	sdelay $0x1  }
0x8a: {  	s1 =	srdreg.scid  }
0x8b: {  	s0 =	sand.u32 $0x1, s1  }
0x8c: {  	s17 =	sshll.u32 s0, $0xA;
	s2 =	sadd.s32 s3, s2  }
0x8d: {  	s2 =	sadd.s32 s2, s17  }
0x8e: {  	[smem:$0x3FC6] =	sst s2  }
0x8f: {  	_ = 	snop  }
0x90: {  	s2 =	sld [smem:$0x3FD0];
	(tm) =	ssettm $0x1  }
0x91: {  	s18 =	sld [smem:$0x3FFB];
	_ =	sdelay $0x3  }
0x92: {  	_ =	strace s18  }
0x93: {  	s3 =	sld [smem:$0x3FFC];
	_ =	sdelay $0x3  }
0x94: {  	_ =	strace s3  }
0x95: {  	s3 =	sld [smem:$0x3FFD];
	_ =	sdelay $0x3  }
0x96: {  	_ =	strace s3  }
0x97: {  	_ =	strace $0x8FFFFFFF  }
0x98: {  	s19 =	sld [smem:$0x3FDB];
	_ =	sdelay $0x1  }
0x99: {  	s4 =	simm.s32 $_scs_section_size  }
0x9a: {  	s5 =	simm.s32 $_size__tile_overlayer_lowered;
	s6 =	simm.s32 $_tile_overlayer_lowered  }
0x9b: {  	s22 =	simm.s32 $0x1BFF;
	s21 =	sshll.u32 s6, $0x1;
	s3 =	sadd.s32 s4, s19  }
0x9c: {  	s7 =	simm.s32 $0x0;
	s20 =	sshll.u32 s5, $0x1;
	s5 =	sadd.s32 s21, s3  }
0x9d: {  	[timem:s7], [sflag:s22] =	dma.local [hbm:s5], s20  }
0x9e: {  	_ =	swait.ge [sflag:s22], s20  }
0x9f: {  	s4 =	ssub.s32 $0x0, s20;
	[sflag:s22] =	ssyncset.done $0x0  }
0xa0: {  	[sflag:s22] =	ssyncadd.s32 s4;
	_ =	sdelay $0x1  }
0xa1: {  	s23 =	simm.s32 $0x1B8B  }
0xa2: {  	_ =	swait.ge [sflag:s23], $0x1  }
0xa3: {  	[sflag:s23] =	ssyncset.done $0x0  }
0xa4: {  	s25 =	simm.s32 $0x1B8E;
	s24 =	sld [smem:$0x3FFE];
	[sflag:s23] =	ssyncadd.s32 $0xFFFFFFFF  }
0xa5: {  	s26 =	simm.s32 $execute0_lowered;
	[smem:$0x3FD2] =	sst s25  }
0xa6: {  	s5 =	sshll.u32 s26, $0x1;
	_ =	strace $0x80000046;
	[dreg:$0x1] =	wrdreg $0xFFFFFFFF  }
0xa7: {  	s28 =	simm.s32 $_size_execute0_lowered;
	s3 =	sadd.s32 s3, s5;
	[dreg:$0x0] =	wrdreg $0x0  }
0xa8: {  	s5 =	sshll.u32 s28, $0x1;
	[dreg:$0x2] =	wrdreg s3  }
0xa9: {  	[dreg:$0x3] =	wrdreg s5  }
0xaa: {  	[dreg:$0x4] =	wrdreg $0xC0  }
0xab: {  	_ =	task [dreg:s7], $0x5FFFF  }
0xac: {  	[dreg:$0x1] =	wrdreg $0xFFFFFFFF  }
0xad: {  	[dreg:$0x0] =	wrdreg $0x60  }
0xae: {  	[dreg:$0x2] =	wrdreg s24  }
0xaf: {  	[dreg:$0x3] =	wrdreg s2  }
0xb0: {  	[dreg:$0x4] =	wrdreg $0x9  }
0xb1: {  	_ =	task.clear_ibuf [dreg:s7], $0x5FFFF;
	_ =	strace $0x90000046  }
0xb2: {  	s29 =	simm.s32 $0x9;
	_ =	strace $0x80000048  }
0xb3: {  	_ =	swait.ge [sflag:s29], $0x1  }
0xb4: {  	[sflag:s29] =	ssyncadd.s32 $0xFFFFFFFF  }
0xb5: {  	_ =	strace $0x90000048  }
0xb6: {  	_ =	sfence  }
0xb7: {  	s30 =	sld [smem:$0x0];
	_ =	sdelay $0x2  }
0xb8: {  	s31 =	sshll.u32 s1, $0xD;
	s1 =	sshrl.u32 s1, $0x2  }
0xb9: {  	s3 =	sand.u32 $0x4000, s31;
	s1 =	sadd.s32 s1, s30  }
0xba: {  	s0 =	sor.u32 s3, s0;
	s1 =	sshll.u32 s1, $0x11  }
0xbb: {  	s0 =	sor.u32 s1, s0  }
0xbc: {  	s0 =	sadd.s32 $0x8F2B, s0  }
0xbd: {  	[sflag:s0] =	ssyncadd.remote.s32 $0x1  }
0xbe: {  	_ =	sfence.sel $0xFFFF  }
0xbf: {  	[dreg:$0x0] =	wrdreg $0xFFFFFFFF;
	(pc) =	sbr.abs _section_cstart, $3  }
0xc0: {  	[dreg:$0x1] =	wrdreg $0xFFFFFFFF  }
0xc1: {  	_ =	task.clear_ibuf [dreg:s7], $0x2FFFF;
	_ =	strace $0x9FFFFFFF  }
0xc2: {  	(tm) =	ssettm $0x7FFFFFFF  }
0xc3: {  	_ =	shalt  }
tec
execute0_lowered:
.L_overlay_start_1:
0x0: {  	(tag) =	ssettag $0x1  }
0x1: {  	s0 =	rddreg [dreg:$0x0];
	s9 =	stileid.u32  }
0x2: {  	s1 =	srdreg.scid;
	s15 =	smul.u32 $0x32000, s9  }
0x3: {  	s2 =	rddreg [dreg:$0x1];
	s3 =	simm.s32 $0x0;
	s26 =	smul.u32 $0xC8000, s9  }
0x4: {  	s28 =	simm.s32 $0x9;
	s1 =	sand.u32 $0x1, s1;
	s12 =	smul.u32 $0x640000, s9  }
0x5: {  	s29 =	simm.s32 $0x14;
	s4 =	sshll.u32 s9, $0x1;
	s16 =	smul.u32 $0x19000, s1  }
0x6: {  	[smem:$0x7FF] =	sst s3;
	s5 =	sadd.s32 $0xFA6C00, s0;
	s31 =	smul.u32 $0x64000, s1  }
0x7: {  	s4 =	sor.u32 s1, s4;
	s6 =	ssub.s32 $0x2, s1;
	s1 =	smul.u32 $0x320000, s1  }
0x8: {  	s10 =	sadd.s32 $0x800, s0;
	_ =	strace $0x80000047;
	s7 =	smul.u32 $0x19000, s4  }
0x9: {  	[dreg:$0x3] =	wrdreg s10;
	s8 =	sshrl.u32 s6, $0x1;
	s4 =	smul.u32 $0x320000, s4  }
0xa: {  	s13 =	ssub.s32 s6, s8;
	s20 =	sadd.s32 s16, s15;
	s1 =	sadd.s32 s1, s12  }
0xb: {  	s14 =	sshrl.u32 s7, $0x3;
	s4 =	sshrl.u32 s4, $0x3;
	s0 =	smax.u32 s13, $0x1  }
0xc: {  	s6 =	sadd.s32 $0x1C00, s20;
	s8 =	sadd.s32 $0x1400, s20;
	[dreg:$0x9] =	wrdreg s0  }
0xd: {  	s7 =	sadd.s32 $0x1A00, s20;
	s22 =	sshrl.u32 s6, $0x3;
	[dreg:$0xf] =	wrdreg s8  }
0xe: {  	s25 =	sadd.s32 $0x1600, s20;
	s23 =	sshrl.u32 s7, $0x3;
	[dreg:$0xb] =	wrdreg s22  }
0xf: {  	s11 =	sadd.s32 $0x1200, s20;
	s30 =	sshrl.u32 s25, $0x3;
	[dreg:$0xc] =	wrdreg s23  }
0x10: {  	s13 =	sadd.s32 $0x1000, s20;
	s6 =	sshrl.u32 s11, $0x3;
	[dreg:$0xe] =	wrdreg s30  }
0x11: {  	s10 =	sadd.s32 s10, s14;
	s14 =	sshrl.u32 s13, $0x3;
	[dreg:$0x10] =	wrdreg s6  }
0x12: {  	s21 =	sadd.s32 $0x1E00, s20;
	s24 =	sadd.s32 $0x1800, s20;
	[dreg:$0x12] =	wrdreg s14  }
0x13: {  	s4 =	sadd.s32 s2, s4;
	s7 =	sadd.s32 s31, s26;
	[dreg:$0x4] =	wrdreg s10  }
0x14: {  	s15 =	sor.u32 $0xE00, s20;
	s17 =	sadd.s32 $0x62000, s4;
	[dreg:$0x11] =	wrdreg s7  }
0x15: {  	s16 =	sshll.u32 s20, $0x2;
	s18 =	sadd.s32 $0x62800, s4;
	[dreg:$0x5] =	wrdreg s17  }
0x16: {  	s0 =	sor.u32 $0xC00, s20;
	s19 =	sadd.s32 $0x63000, s4;
	[dreg:$0x6] =	wrdreg s18  }
0x17: {  	s20 =	sor.u32 $0xC000, s1;
	s4 =	sadd.s32 $0x63800, s4;
	[dreg:$0x7] =	wrdreg s19  }
0x18: {  	s8 =	simm.s32 $0x200;
	s0 =	sshrl.u32 s0, $0x3;
	[dreg:$0x8] =	wrdreg s4  }
0x19: {  	s23 =	sadd.s32 $0x40, s10;
	s25 =	sadd.s32 $0xC0, s10;
	[dreg:$0x15] =	wrdreg s0  }
0x1a: {  	s26 =	sadd.s32 $0x100, s10;
	s30 =	sadd.s32 $0x140, s10;
	[dreg:$0x1a] =	wrdreg s23  }
0x1b: {  	s31 =	sadd.s32 s2, s7;
	s6 =	simm.s32 $0xA00;
	[dreg:$0x1c] =	wrdreg s25  }
0x1c: {  	s7 =	simm.s32 $0x13;
	s4 =	sshrl.u32 s21, $0x3;
	[dreg:$0x1d] =	wrdreg s26  }
0x1d: {  	s17 =	sor.u32 $0x14000, s1;
	s19 =	sor.u32 $0x10000, s1;
	[dreg:$0x1e] =	wrdreg s30  }
0x1e: {  	s1 =	sor.u32 $0x8000, s1;
	[dreg:$0x1f] =	wrdreg s31;
	s23 =	simm.s32 $0x8  }
0x1f: {  	s25 =	simm.s32 $0xE;
	[dreg:$0xa] =	wrdreg s4;
	s4 =	sshrl.u32 s24, $0x3  }
0x20: {  	s18 =	sshrl.u32 s17, $0x3;
	s22 =	sshrl.u32 s1, $0x3;
	s24 =	sadd.s32 $0x80, s10  }
0x21: {  	s10 =	simm.s32 $0xF;
	s17 =	simm.s32 $0xA;
	[dreg:$0xd] =	wrdreg s4  }
0x22: {  	s1 =	simm.s32 $0x0;
	s4 =	sshrl.u32 s15, $0x3;
	[dreg:$0x1b] =	wrdreg s24  }
0x23: {  	s0 =	sadd.s32 s18, s2;
	s15 =	simm.s32 $0x10;
	[dreg:$0x13] =	wrdreg s4  }
0x24: {  	s24 =	simm.s32 $0x12;
	s4 =	sadd.s32 s16, s2;
	[dreg:$0x16] =	wrdreg s0  }
.Ltmp0:
0x25: {  	s0 =	sshrl.u32 s19, $0x3;
	s4 =	sadd.s32 $0x800, s4;
	(pc) =	sbr.rel .LBB2_1-.Ltmp0, $4  }
0x26: {  	s16 =	simm.s32 $0xC;
	s0 =	sadd.s32 s0, s2;
	[dreg:$0x14] =	wrdreg s4  }
0x27: {  	s4 =	sshrl.u32 s20, $0x3;
	[dreg:$0x17] =	wrdreg s0;
	s0 =	sadd.s32 s22, s2  }
0x28: {  	s20 =	simm.s32 $0x11;
	s21 =	sadd.s32 s4, s2;
	[dreg:$0x19] =	wrdreg s0  }
0x29: {  	s4 =	simm.s32 $0xB;
	[dreg:$0x18] =	wrdreg s21;
	s21 =	simm.s32 $0xD  }
.LBB2_4:
0x2a: {  	_ =	swait.ge [sflag:s16], $0x4000  }
0x2b: {  	[sflag:s16] =	ssyncset.done $0x0  }
0x2c: {  	s0 =	rddreg [dreg:$0x5];
	[sflag:s16] =	ssyncadd.s32 $0xFFFFC000  }
0x2d: {  	[hbm4b:s0+s3] =	stream.linear.scatter [tilespmem:s13], [sflag:$0x11], $0x4000, $0x38;
	[tilespmem:$0x15400] =	vst v63  }
0x2e: {  	_ =	swait.ge [sflag:s21], $0x4000  }
0x2f: {  	[sflag:s21] =	ssyncset.done $0x0  }
0x30: {  	s22 =	rddreg [dreg:$0x6];
	[sflag:s21] =	ssyncadd.s32 $0xFFFFC000  }
0x31: {  	[hbm4b:s22+s3] =	stream.linear.scatter [tilespmem:s12], [sflag:$0x12], $0x4000, $0x38;
	[tilespmem:$0x15400] =	vst v63  }
0x32: {  	_ =	swait.ge [sflag:s25], $0x4000  }
0x33: {  	[sflag:s25] =	ssyncset.done $0x0  }
0x34: {  	s26 =	rddreg [dreg:$0x7];
	[sflag:s25] =	ssyncadd.s32 $0xFFFFC000  }
0x35: {  	[hbm4b:s26+s3] =	stream.linear.scatter [tilespmem:s14], [sflag:$0x13], $0x4000, $0x38;
	[tilespmem:$0x15400] =	vst v63  }
0x36: {  	_ =	swait.ge [sflag:s10], $0x4000  }
0x37: {  	[sflag:s10] =	ssyncset.done $0x0  }
0x38: {  	s30 =	rddreg [dreg:$0x8];
	[sflag:s10] =	ssyncadd.s32 $0xFFFFC000  }
0x39: {  	[hbm4b:s30+s3] =	stream.linear.scatter [tilespmem:s9], [sflag:$0x14], $0x4000, $0x38;
	[tilespmem:$0x15400] =	vst v63  }
0x3a: {  	_ =	swait.ge [sflag:s15], $0x4000  }
0x3b: {  	[sflag:s15] =	ssyncset.done $0x0  }
0x3c: {  	[sflag:s15] =	ssyncadd.s32 $0xFFFFC000  }
0x3d: {  	_ =	swait.ge [sflag:s20], $0x4000  }
0x3e: {  	[sflag:s20] =	ssyncset.done $0x0  }
0x3f: {  	[sflag:s20] =	ssyncadd.s32 $0xFFFFC000  }
0x40: {  	_ =	swait.ge [sflag:s24], $0x4000  }
0x41: {  	[sflag:s24] =	ssyncset.done $0x0  }
0x42: {  	[sflag:s24] =	ssyncadd.s32 $0xFFFFC000  }
0x43: {  	_ =	swait.ge [sflag:s7], $0x4000  }
0x44: {  	[sflag:s7] =	ssyncset.done $0x0  }
0x45: {  	[sflag:s7] =	ssyncadd.s32 $0xFFFFC000  }
0x46: {  	_ =	swait.ge [sflag:s29], $0x4000  }
0x47: {  	s1 =	sld [smem:$0x7FD];
	_ =	sdelay $0x2  }
0x48: {  	s31 =	rddreg [dreg:$0x9];
	s1 =	sadd.s32 $0x1, s1  }
0x49: {  	p0 =	sne.s32 s1, s31  }
.Ltmp1:
0x4a: {  	_ = 	snop;
	(pc) =	sbr.rel @!p0 .LBB2_5-.Ltmp1, $3  }
0x4b: {  	_ =	sdelay $0x1  }
0x4c: {  	[sflag:s29] =	ssyncset.done $0x0  }
0x4d: {  	[sflag:s29] =	ssyncadd.s32 $0xFFFFC000  }
.LBB2_1:
0x4e: {  	[smem:$0x7FD] =	sst s1  }
0x4f: {  	s0 =	rddreg [dreg:$0x4]  }
0x50: {  	s12 =	rddreg [dreg:$0x1a]  }
0x51: {  	s13 =	rddreg [dreg:$0x1b]  }
0x52: {  	[tilespmem:s3], [sflag:$0x1] =	stream.linear.gather [hbm4b:s0+s3], $0x200, $0x38;
	[tilespmem:$0x15400] =	vst v63  }
0x53: {  	s18 =	rddreg [dreg:$0x1c]  }
0x54: {  	[tilespmem:s8], [sflag:$0x2] =	stream.linear.gather [hbm4b:s12+s3], $0x200, $0x38;
	[tilespmem:$0x15400] =	vst v63  }
0x55: {  	s14 =	simm.s32 $0x400;
	s22 =	rddreg [dreg:$0x1d]  }
0x56: {  	[tilespmem:s14], [sflag:$0x3] =	stream.linear.gather [hbm4b:s13+s3], $0x200, $0x38;
	[tilespmem:$0x15400] =	vst v63  }
0x57: {  	s19 =	simm.s32 $0x600;
	s30 =	rddreg [dreg:$0x1e]  }
0x58: {  	[tilespmem:s19], [sflag:$0x4] =	stream.linear.gather [hbm4b:s18+s3], $0x200, $0x38;
	[tilespmem:$0x15400] =	vst v63  }
0x59: {  	s26 =	simm.s32 $0x800;
	s0 =	rddreg [dreg:$0xf]  }
0x5a: {  	[tilespmem:s26], [sflag:$0x5] =	stream.linear.gather [hbm4b:s22+s3], $0x200, $0x38;
	[tilespmem:$0x15400] =	vst v63  }
0x5b: {  	s31 =	simm.s32 $0x0;
	s13 =	simm.s32 $0xA00;
	s18 =	rddreg [dreg:$0x3]  }
0x5c: {  	[tilespmem:s6], [sflag:$0x6] =	stream.linear.gather [hbm4b:s30+s3], $0x200, $0x38;
	[tilespmem:$0x15400] =	vst v63  }
.LBB2_2:
0x5d: {  	s1 =	simm.s32 $0x1  }
0x5e: {  	_ =	swait.ge [sflag:s1], $0x200  }
0x5f: {  	p0 =	sne.s32 s31, $0x0;
	[sflag:s1] =	ssyncset.done $0x0  }
0x60: {  	s6 =	simm.s32 @p0 $0x10;
	[sflag:s1] =	ssyncadd.s32 $0xFFFFFE00  }
0x61: {  	_ =	swait.ge @p0 [sflag:s6], $0x4000  }
0x62: {  	s26 =	simm.s32 @p0 $0x200;
	s22 =	simm.s32 @p0 $0x0;
	[sflag:s6] =	ssyncset.done @p0 $0x0  }
0x63: {  	s1 =	rddreg [dreg:$0x11];
	[sflag:s6] =	ssyncadd.s32 @p0 $0xFFFFC000;
	s6 =	simm.s32 @p0 $0x1400  }
0x64: {  	[tilespmem:s6], [sflag:$0xB] =	stream.indirect.gather @p0 [hbm4b:s5+s26], $0x20, s22, s26, $0xb8;
	[tilespmem:$0x15400] =	vst v63  }
0x65: {  	s11 =	sadd.s32 @p0 s31, s1;
	s6 =	simm.s32 @p0 $0xC  }
0x66: {  	s30 =	sadd.s32 @p0 $0x1FFFE000, s11;
	_ =	swait.ge @p0 [sflag:s6], $0x4000  }
0x67: {  	s9 =	simm.s32 @!p0 $0x1400;
	s30 =	sand.u32 @p0 $0x1FFFF000, s30;
	[sflag:s6] =	ssyncset.done @p0 $0x0  }
0x68: {  	[sflag:s6] =	ssyncadd.s32 @p0 $0xFFFFC000;
	s6 =	sadd.s32 @p0 s2, s30;
	s30 =	simm.s32 @p0 $0x5400  }
0x69: {  	[hbm4b:s6+s22] =	stream.linear.scatter @p0 [tilespmem:s30], [sflag:$0x11], $0x4000, $0x38;
	[tilespmem:$0x15400] =	vst v63  }
0x6a: {  	s1 =	simm.s32 @!p0 $0x0;
	s19 =	rddreg [dreg:$0x15];
	s6 =	simm.s32 @!p0 $0x200  }
0x6b: {  	[tilespmem:s9], [sflag:$0xB] =	stream.indirect.gather @!p0 [hbm4b:s5+s6], $0x20, s1, s6, $0xb8;
	[tilespmem:$0x15400] =	vst v63  }
0x6c: {  	s12 =	simm.s32 $0xC00;
	s1 =	sadd.s32 s18, s19;
	s9 =	simm.s32 $0x2  }
0x6d: {  	[tilespmem:s12], [sflag:$0x7] =	stream.linear.gather [hbm4b:s1+s3], $0x200, $0x38;
	[tilespmem:$0x15400] =	vst v63  }
0x6e: {  	_ =	swait.ge [sflag:s9], $0x200  }
0x6f: {  	[sflag:s9] =	ssyncset.done $0x0  }
0x70: {  	s1 =	simm.s32 @p0 $0x11;
	[sflag:s9] =	ssyncadd.s32 $0xFFFFFE00  }
0x71: {  	_ =	swait.ge @p0 [sflag:s1], $0x4000  }
0x72: {  	[sflag:s1] =	ssyncset.done @p0 $0x0  }
0x73: {  	[sflag:s1] =	ssyncadd.s32 @p0 $0xFFFFC000;
	s1 =	simm.s32 @p0 $0xD  }
0x74: {  	[tilespmem:s30], [sflag:$0xC] =	stream.indirect.gather @p0 [hbm4b:s5+s26], $0x20, s26, s26, $0xb8;
	[tilespmem:$0x15400] =	vst v63  }
0x75: {  	s9 =	sadd.s32 @p0 $0x1FFFE800, s11;
	_ =	swait.ge @p0 [sflag:s1], $0x4000  }
0x76: {  	s9 =	sand.u32 @p0 $0x1FFFF800, s9;
	[sflag:s1] =	ssyncset.done @p0 $0x0  }
0x77: {  	[sflag:s1] =	ssyncadd.s32 @p0 $0xFFFFC000;
	s1 =	sadd.s32 @p0 s2, s9;
	s9 =	simm.s32 @p0 $0x9400  }
0x78: {  	[hbm4b:s1+s22] =	stream.linear.scatter @p0 [tilespmem:s9], [sflag:$0x12], $0x4000, $0x38;
	[tilespmem:$0x15400] =	vst v63  }
0x79: {  	s14 =	rddreg [dreg:$0x13];
	s1 =	simm.s32 @!p0 $0x5400  }
0x7a: {  	[tilespmem:s1], [sflag:$0xC] =	stream.indirect.gather @!p0 [hbm4b:s5+s6], $0x20, s6, s6, $0xb8;
	[tilespmem:$0x15400] =	vst v63  }
0x7b: {  	s19 =	simm.s32 $0x3;
	s1 =	sadd.s32 s18, s14;
	s14 =	simm.s32 $0xE00  }
0x7c: {  	[tilespmem:s14], [sflag:$0x8] =	stream.linear.gather [hbm4b:s1+s3], $0x200, $0x38;
	[tilespmem:$0x15400] =	vst v63  }
0x7d: {  	_ =	swait.ge [sflag:s19], $0x200  }
0x7e: {  	[sflag:s19] =	ssyncset.done $0x0  }
0x7f: {  	s1 =	simm.s32 @p0 $0x12;
	[sflag:s19] =	ssyncadd.s32 $0xFFFFFE00  }
0x80: {  	_ =	swait.ge @p0 [sflag:s1], $0x4000  }
0x81: {  	[sflag:s1] =	ssyncset.done @p0 $0x0  }
0x82: {  	[sflag:s1] =	ssyncadd.s32 @p0 $0xFFFFC000;
	s1 =	simm.s32 @p0 $0x400  }
0x83: {  	[tilespmem:s9], [sflag:$0xD] =	stream.indirect.gather @p0 [hbm4b:s5+s26], $0x20, s1, s26, $0xb8;
	[tilespmem:$0x15400] =	vst v63  }
0x84: {  	s1 =	simm.s32 @p0 $0xE  }
0x85: {  	s9 =	sadd.s32 @p0 $0x1FFFF000, s11;
	_ =	swait.ge @p0 [sflag:s1], $0x4000  }
0x86: {  	s9 =	sand.u32 @p0 $0x1FFFF000, s9;
	[sflag:s1] =	ssyncset.done @p0 $0x0  }
0x87: {  	[sflag:s1] =	ssyncadd.s32 @p0 $0xFFFFC000;
	s1 =	sadd.s32 @p0 s2, s9;
	s9 =	simm.s32 @p0 $0xD400  }
0x88: {  	[hbm4b:s1+s22] =	stream.linear.scatter @p0 [tilespmem:s9], [sflag:$0x13], $0x4000, $0x38;
	[tilespmem:$0x15400] =	vst v63  }
0x89: {  	s30 =	simm.s32 @!p0 $0x9400;
	s1 =	simm.s32 @!p0 $0x400  }
0x8a: {  	[tilespmem:s30], [sflag:$0xD] =	stream.indirect.gather @!p0 [hbm4b:s5+s6], $0x20, s1, s6, $0xb8;
	[tilespmem:$0x15400] =	vst v63  }
0x8b: {  	s30 =	rddreg [dreg:$0x12]  }
0x8c: {  	s19 =	simm.s32 $0x4;
	s1 =	sadd.s32 s18, s30;
	s30 =	simm.s32 $0x1000  }
0x8d: {  	[tilespmem:s30], [sflag:$0x9] =	stream.linear.gather [hbm4b:s1+s3], $0x200, $0x38;
	[tilespmem:$0x15400] =	vst v63  }
0x8e: {  	_ =	swait.ge [sflag:s19], $0x200  }
0x8f: {  	[sflag:s19] =	ssyncset.done $0x0  }
0x90: {  	s1 =	simm.s32 @p0 $0x13;
	[sflag:s19] =	ssyncadd.s32 $0xFFFFFE00  }
0x91: {  	_ =	swait.ge @p0 [sflag:s1], $0x4000  }
0x92: {  	[sflag:s1] =	ssyncset.done @p0 $0x0  }
0x93: {  	[sflag:s1] =	ssyncadd.s32 @p0 $0xFFFFC000;
	s1 =	simm.s32 @p0 $0x600  }
0x94: {  	[tilespmem:s9], [sflag:$0xE] =	stream.indirect.gather @p0 [hbm4b:s5+s26], $0x20, s1, s26, $0xb8;
	[tilespmem:$0x15400] =	vst v63  }
0x95: {  	s1 =	simm.s32 @p0 $0xF  }
0x96: {  	s9 =	sadd.s32 @p0 $0x1FFFF800, s11;
	_ =	swait.ge @p0 [sflag:s1], $0x4000  }
0x97: {  	s9 =	sand.u32 @p0 $0x1FFFF800, s9;
	[sflag:s1] =	ssyncset.done @p0 $0x0  }
0x98: {  	[sflag:s1] =	ssyncadd.s32 @p0 $0xFFFFC000;
	s1 =	sadd.s32 @p0 s2, s9;
	s9 =	simm.s32 @p0 $0x11400  }
0x99: {  	[hbm4b:s1+s22] =	stream.linear.scatter @p0 [tilespmem:s9], [sflag:$0x14], $0x4000, $0x38;
	[tilespmem:$0x15400] =	vst v63  }
0x9a: {  	s19 =	rddreg [dreg:$0x10];
	s1 =	simm.s32 @!p0 $0x600;
	s9 =	simm.s32 @!p0 $0xD400  }
0x9b: {  	[tilespmem:s9], [sflag:$0xE] =	stream.indirect.gather @!p0 [hbm4b:s5+s6], $0x20, s1, s6, $0xb8;
	[tilespmem:$0x15400] =	vst v63  }
0x9c: {  	s11 =	simm.s32 $0x1200;
	s22 =	simm.s32 $0x5;
	s1 =	sadd.s32 s18, s19  }
0x9d: {  	[tilespmem:s11], [sflag:$0xA] =	stream.linear.gather [hbm4b:s1+s3], $0x200, $0x38;
	[tilespmem:$0x15400] =	vst v63  }
0x9e: {  	_ =	swait.ge [sflag:s22], $0x200  }
0x9f: {  	p0 =	seq.s32 s31, $0x0;
	[sflag:s22] =	ssyncset.done $0x0  }
0xa0: {  	s1 =	simm.s32 @!p0 $0x14;
	[sflag:s22] =	ssyncadd.s32 $0xFFFFFE00  }
0xa1: {  	_ =	swait.ge @!p0 [sflag:s1], $0x4000  }
0xa2: {  	[sflag:s1] =	ssyncset.done @!p0 $0x0  }
0xa3: {  	s26 =	simm.s32 $0x800;
	s22 =	simm.s32 $0x11400;
	[sflag:s1] =	ssyncadd.s32 @!p0 $0xFFFFC000  }
0xa4: {  	[tilespmem:s22], [sflag:$0xF] =	stream.indirect.gather [hbm4b:s5+s8], $0x20, s26, s8, $0xb8;
	[tilespmem:$0x15400] =	vst v63  }
0xa5: {  	_ =	swait.ge [sflag:s4], $0x4000  }
0xa6: {  	p0 =	seq.s32 s31, $0x5F000;
	[sflag:s4] =	ssyncset.done $0x0;
	s6 =	rddreg [dreg:$0x1f]  }
0xa7: {  	s26 =	simm.s32 $0x1400;
	[sflag:s4] =	ssyncadd.s32 $0xFFFFC000;
	s1 =	sadd.s32 s31, s6  }
0xa8: {  	[hbm4b:s1+s3] =	stream.linear.scatter [tilespmem:s26], [sflag:$0x10], $0x4000, $0x38;
	[tilespmem:$0x15400] =	vst v63  }
0xa9: {  	s6 =	rddreg [dreg:$0x3];
	s1 =	sshrl.u32 @!p0 s0, $0x3  }
0xaa: {  	s9 =	simm.s32 $0x6;
	s1 =	sadd.s32 @!p0 s6, s1;
	s6 =	simm.s32 @!p0 $0x0  }
0xab: {  	[tilespmem:s6], [sflag:$0x1] =	stream.linear.gather @!p0 [hbm4b:s1+s6], $0x200, $0x38;
	[tilespmem:$0x15400] =	vst v63  }
0xac: {  	_ =	swait.ge [sflag:s9], $0x200  }
0xad: {  	[sflag:s9] =	ssyncset.done $0x0  }
0xae: {  	[sflag:s9] =	ssyncadd.s32 $0xFFFFFE00  }
0xaf: {  	_ =	swait.ge [sflag:s15], $0x4000  }
0xb0: {  	[sflag:s15] =	ssyncset.done $0x0  }
0xb1: {  	[sflag:s15] =	ssyncadd.s32 $0xFFFFC000  }
0xb2: {  	[tilespmem:s26], [sflag:$0xB] =	stream.indirect.gather [hbm4b:s5+s8], $0x20, s13, s8, $0xb8;
	[tilespmem:$0x15400] =	vst v63  }
0xb3: {  	_ =	swait.ge [sflag:s16], $0x4000  }
0xb4: {  	[sflag:s16] =	ssyncset.done $0x0;
	s19 =	rddreg [dreg:$0x14]  }
0xb5: {  	[sflag:s16] =	ssyncadd.s32 $0xFFFFC000;
	s1 =	sadd.s32 s31, s19;
	s19 =	simm.s32 $0x5400  }
0xb6: {  	[hbm4b:s1+s3] =	stream.linear.scatter [tilespmem:s19], [sflag:$0x11], $0x4000, $0x38;
	[tilespmem:$0x15400] =	vst v63  }
0xb7: {  	s1 =	rddreg [dreg:$0xe]  }
0xb8: {  	s9 =	simm.s32 @!p0 $0x200;
	s1 =	sadd.s32 @!p0 s18, s1  }
0xb9: {  	[tilespmem:s9], [sflag:$0x2] =	stream.linear.gather @!p0 [hbm4b:s1+s6], $0x200, $0x38;
	[tilespmem:$0x15400] =	vst v63  }
0xba: {  	s9 =	simm.s32 $0x7  }
0xbb: {  	_ =	swait.ge [sflag:s9], $0x200  }
0xbc: {  	[sflag:s9] =	ssyncset.done $0x0  }
0xbd: {  	[sflag:s9] =	ssyncadd.s32 $0xFFFFFE00  }
0xbe: {  	_ =	swait.ge [sflag:s20], $0x4000  }
0xbf: {  	[sflag:s20] =	ssyncset.done $0x0  }
0xc0: {  	[sflag:s20] =	ssyncadd.s32 $0xFFFFC000  }
0xc1: {  	[tilespmem:s19], [sflag:$0xC] =	stream.indirect.gather [hbm4b:s5+s8], $0x20, s12, s8, $0xb8;
	[tilespmem:$0x15400] =	vst v63  }
0xc2: {  	_ =	swait.ge [sflag:s21], $0x4000  }
0xc3: {  	[sflag:s21] =	ssyncset.done $0x0;
	s12 =	rddreg [dreg:$0x19]  }
0xc4: {  	s19 =	simm.s32 $0x9400;
	[sflag:s21] =	ssyncadd.s32 $0xFFFFC000;
	s1 =	sadd.s32 s31, s12  }
0xc5: {  	[hbm4b:s1+s3] =	stream.linear.scatter [tilespmem:s19], [sflag:$0x12], $0x4000, $0x38;
	[tilespmem:$0x15400] =	vst v63  }
0xc6: {  	s1 =	rddreg [dreg:$0xd]  }
0xc7: {  	s9 =	simm.s32 @!p0 $0x400;
	s1 =	sadd.s32 @!p0 s18, s1  }
0xc8: {  	[tilespmem:s9], [sflag:$0x3] =	stream.linear.gather @!p0 [hbm4b:s1+s6], $0x200, $0x38;
	[tilespmem:$0x15400] =	vst v63  }
0xc9: {  	_ =	swait.ge [sflag:s23], $0x200  }
0xca: {  	[sflag:s23] =	ssyncset.done $0x0  }
0xcb: {  	[sflag:s23] =	ssyncadd.s32 $0xFFFFFE00  }
0xcc: {  	_ =	swait.ge [sflag:s24], $0x4000  }
0xcd: {  	[sflag:s24] =	ssyncset.done $0x0  }
0xce: {  	[sflag:s24] =	ssyncadd.s32 $0xFFFFC000  }
0xcf: {  	[tilespmem:s19], [sflag:$0xD] =	stream.indirect.gather [hbm4b:s5+s8], $0x20, s14, s8, $0xb8;
	[tilespmem:$0x15400] =	vst v63  }
0xd0: {  	_ =	swait.ge [sflag:s25], $0x4000  }
0xd1: {  	[sflag:s25] =	ssyncset.done $0x0;
	s14 =	rddreg [dreg:$0x18]  }
0xd2: {  	s19 =	simm.s32 $0xD400;
	[sflag:s25] =	ssyncadd.s32 $0xFFFFC000;
	s1 =	sadd.s32 s31, s14  }
0xd3: {  	[hbm4b:s1+s3] =	stream.linear.scatter [tilespmem:s19], [sflag:$0x13], $0x4000, $0x38;
	[tilespmem:$0x15400] =	vst v63  }
0xd4: {  	s1 =	rddreg [dreg:$0xc]  }
0xd5: {  	s9 =	simm.s32 @!p0 $0x600;
	s1 =	sadd.s32 @!p0 s18, s1  }
0xd6: {  	[tilespmem:s9], [sflag:$0x4] =	stream.linear.gather @!p0 [hbm4b:s1+s6], $0x200, $0x38;
	[tilespmem:$0x15400] =	vst v63  }
0xd7: {  	_ =	swait.ge [sflag:s28], $0x200  }
0xd8: {  	[sflag:s28] =	ssyncset.done $0x0  }
0xd9: {  	[sflag:s28] =	ssyncadd.s32 $0xFFFFFE00  }
0xda: {  	_ =	swait.ge [sflag:s7], $0x4000  }
0xdb: {  	[sflag:s7] =	ssyncset.done $0x0  }
0xdc: {  	[sflag:s7] =	ssyncadd.s32 $0xFFFFC000  }
0xdd: {  	[tilespmem:s19], [sflag:$0xE] =	stream.indirect.gather [hbm4b:s5+s8], $0x20, s30, s8, $0xb8;
	[tilespmem:$0x15400] =	vst v63  }
0xde: {  	_ =	swait.ge [sflag:s10], $0x4000  }
0xdf: {  	[sflag:s10] =	ssyncset.done $0x0;
	s19 =	rddreg [dreg:$0x17]  }
0xe0: {  	[sflag:s10] =	ssyncadd.s32 $0xFFFFC000;
	s1 =	sadd.s32 s31, s19  }
0xe1: {  	[hbm4b:s1+s3] =	stream.linear.scatter [tilespmem:s22], [sflag:$0x14], $0x4000, $0x38;
	[tilespmem:$0x15400] =	vst v63  }
0xe2: {  	s1 =	rddreg [dreg:$0xb]  }
0xe3: {  	s9 =	simm.s32 @!p0 $0x800;
	s1 =	sadd.s32 @!p0 s18, s1  }
0xe4: {  	[tilespmem:s9], [sflag:$0x5] =	stream.linear.gather @!p0 [hbm4b:s1+s6], $0x200, $0x38;
	[tilespmem:$0x15400] =	vst v63  }
0xe5: {  	_ =	swait.ge [sflag:s17], $0x200  }
0xe6: {  	[sflag:s17] =	ssyncset.done $0x0  }
0xe7: {  	[sflag:s17] =	ssyncadd.s32 $0xFFFFFE00  }
0xe8: {  	_ =	swait.ge [sflag:s29], $0x4000  }
0xe9: {  	[sflag:s29] =	ssyncset.done $0x0  }
0xea: {  	[sflag:s29] =	ssyncadd.s32 $0xFFFFC000  }
0xeb: {  	[tilespmem:s22], [sflag:$0xF] =	stream.indirect.gather [hbm4b:s5+s8], $0x20, s11, s8, $0xb8;
	[tilespmem:$0x15400] =	vst v63  }
.Ltmp2:
0xec: {  	s13 =	simm.s32 $0x5400;
	(pc) =	sbr.rel @p0 .LBB2_4-.Ltmp2, $4  }
0xed: {  	s12 =	simm.s32 $0x9400;
	s14 =	simm.s32 $0xD400;
	_ =	swait.ge [sflag:s4], $0x4000  }
0xee: {  	s9 =	simm.s32 $0x11400;
	[sflag:s4] =	ssyncset.done $0x0;
	s30 =	rddreg [dreg:$0x16]  }
0xef: {  	s6 =	simm.s32 $0xA00;
	[sflag:s4] =	ssyncadd.s32 $0xFFFFC000;
	s1 =	sadd.s32 s31, s30  }
0xf0: {  	[hbm4b:s1+s3] =	stream.linear.scatter [tilespmem:s26], [sflag:$0x10], $0x4000, $0x38;
	[tilespmem:$0x15400] =	vst v63  }
.Ltmp3:
0xf1: {  	(pc) =	sbr.rel .LBB2_2-.Ltmp3, $4  }
0xf2: {  	_ = 	snop  }
0xf3: {  	s1 =	rddreg [dreg:$0xa];
	s0 =	sadd.s32 $0x1400, s0;
	s31 =	sadd.s32 $0x5000, s31  }
0xf4: {  	s13 =	simm.s32 $0xA00;
	s1 =	sadd.s32 s18, s1;
	s18 =	sadd.s32 $0x280, s18  }
0xf5: {  	[tilespmem:s6], [sflag:$0x6] =	stream.linear.gather [hbm4b:s1+s3], $0x200, $0x38;
	[tilespmem:$0x15400] =	vst v63  }
.LBB2_5:
0xf6: {  	_ =	sfence.sel $0x180000  }
0xf7: {  	[bflag:$0x0] =	sbarrier.arrive $0xFFFF  }
0xf8: {  	_ =	strace $0x90000047  }
0xf9: {  	s0 =	stileid.u32;
	[bflag:$0x2] =	sbarrier.arrive $0xFFFF  }
0xfa: {  	p0 =	sne.s32 s0, $0x0;
	s0 =	rddreg [dreg:$0x2]  }
0xfb: {  	s0 =	sadd.s32 @!p0 $0x100000, s0  }
0xfc: {  	[sflag:s0] =	ssyncadd.tile.s32 @!p0 $0x1;
	_ =	shalt  }
.Lfunc_end2:
_tile_overlayer_lowered:
.L_overlay_start_2:
0xfd: {  	(tag) =	ssettag $0x2  }
0xfe: {  	s0 =	rddreg [dreg:$0x0];
	s2 =	stileid.u32  }
0xff: {  	s1 =	rddreg [dreg:$0x1];
	p0 =	sne.s32 s2, $0x0  }
0x100: {  	s3 =	rddreg [dreg:$0x2];
	[bflag:$0x3] =	sbarrier.arrive $0xFFFF;
	s2 =	simm.s32 @!p0 $0x1C15  }
0x101: {  	[timem:s3], [sflag:s2] =	dma.local @!p0 [hbm:s0], s1  }
0x102: {  	s0 =	simm.s32 @!p0 $0x15  }
0x103: {  	_ =	swait.ge @!p0 [sflag:s0], s1  }
0x104: {  	s1 =	ssub.s32 @!p0 $0x0, s1;
	[sflag:s0] =	ssyncset.done @!p0 $0x0  }
0x105: {  	[sflag:s0] =	ssyncadd.s32 @!p0 s1  }
0x106: {  	[bflag:$0x3] =	sbarrier.arrive $0xFFFF  }
0x107: {  	_ =	shalt  }

// kernel: sparse-core-data-format-call.cloned.1.call-start
scs
called_computation_lowered:
.L_overlay_start_0:
0x0: {  	s2 =	sld [smem:$0x3FD9]  }
0x1: {  	s3 =	sld [smem:$0x3FFE];
	_ =	sdelay $0x1  }
0x2: {  	s1 =	srdreg.scid  }
0x3: {  	s0 =	sand.u32 $0x1, s1  }
0x4: {  	s18 =	sshll.u32 s0, $0xA;
	s2 =	sadd.s32 s3, s2  }
0x5: {  	s2 =	sadd.s32 s2, s18  }
0x6: {  	[smem:$0x3FC6] =	sst s2  }
0x7: {  	_ = 	snop  }
0x8: {  	s2 =	sld [smem:$0x3FD0];
	(tm) =	ssettm $0x1  }
0x9: {  	s19 =	sld [smem:$0x3FFB];
	_ =	sdelay $0x3  }
0xa: {  	_ =	strace s19  }
0xb: {  	s3 =	sld [smem:$0x3FFC];
	_ =	sdelay $0x3  }
0xc: {  	_ =	strace s3  }
0xd: {  	s3 =	sld [smem:$0x3FFD];
	_ =	sdelay $0x3  }
0xe: {  	_ =	strace s3  }
0xf: {  	_ =	strace $0x8FFFFFFF  }
0x10: {  	s20 =	sld [smem:$0x3FDB];
	_ =	sdelay $0x1  }
0x11: {  	s4 =	simm.s32 $_scs_section_size  }
0x12: {  	s5 =	simm.s32 $_size__tile_overlayer_lowered;
	s6 =	simm.s32 $_tile_overlayer_lowered  }
0x13: {  	s23 =	simm.s32 $0x1BFF;
	s22 =	sshll.u32 s6, $0x1;
	s3 =	sadd.s32 s4, s20  }
0x14: {  	s7 =	simm.s32 $0x0;
	s21 =	sshll.u32 s5, $0x1;
	s5 =	sadd.s32 s22, s3  }
0x15: {  	[timem:s7], [sflag:s23] =	dma.local [hbm:s5], s21  }
0x16: {  	_ =	swait.ge [sflag:s23], s21  }
0x17: {  	s4 =	ssub.s32 $0x0, s21;
	[sflag:s23] =	ssyncset.done $0x0  }
0x18: {  	[sflag:s23] =	ssyncadd.s32 s4;
	_ =	sdelay $0x1  }
0x19: {  	s24 =	simm.s32 $0x1B8B  }
0x1a: {  	_ =	swait.ge [sflag:s24], $0x1  }
0x1b: {  	[sflag:s24] =	ssyncset.done $0x0  }
0x1c: {  	s26 =	simm.s32 $0x1B8E;
	s25 =	sld [smem:$0x3FFE];
	[sflag:s24] =	ssyncadd.s32 $0xFFFFFFFF  }
0x1d: {  	s27 =	simm.s32 $execute0_lowered;
	[smem:$0x3FD2] =	sst s26  }
0x1e: {  	s5 =	sshll.u32 s27, $0x1;
	_ =	strace $0x80000049;
	[dreg:$0x1] =	wrdreg $0xFFFFFFFF  }
0x1f: {  	s28 =	simm.s32 $_size_execute0_lowered;
	s3 =	sadd.s32 s3, s5;
	[dreg:$0x0] =	wrdreg $0x0  }
0x20: {  	s5 =	sshll.u32 s28, $0x1;
	[dreg:$0x2] =	wrdreg s3  }
0x21: {  	[dreg:$0x3] =	wrdreg s5  }
0x22: {  	[dreg:$0x4] =	wrdreg $0xC0  }
0x23: {  	_ =	task [dreg:s7], $0x5FFFF  }
0x24: {  	[dreg:$0x1] =	wrdreg $0xFFFFFFFF  }
0x25: {  	[dreg:$0x0] =	wrdreg $0x60  }
0x26: {  	[dreg:$0x2] =	wrdreg s25  }
0x27: {  	[dreg:$0x3] =	wrdreg s2  }
0x28: {  	[dreg:$0x4] =	wrdreg $0x9  }
0x29: {  	_ =	task.clear_ibuf [dreg:s7], $0x5FFFF;
	_ =	strace $0x90000049  }
0x2a: {  	s29 =	simm.s32 $0x9;
	_ =	strace $0x8000004B  }
0x2b: {  	_ =	swait.ge [sflag:s29], $0x1  }
0x2c: {  	[sflag:s29] =	ssyncadd.s32 $0xFFFFFFFF  }
0x2d: {  	_ =	strace $0x9000004B  }
0x2e: {  	_ =	sfence  }
0x2f: {  	s30 =	sld [smem:$0x0];
	_ =	sdelay $0x2  }
0x30: {  	s31 =	sshll.u32 s1, $0xD;
	s1 =	sshrl.u32 s1, $0x2  }
0x31: {  	s3 =	sand.u32 $0x4000, s31;
	s1 =	sadd.s32 s1, s30  }
0x32: {  	s0 =	sor.u32 s3, s0;
	s1 =	sshll.u32 s1, $0x11  }
0x33: {  	s0 =	sor.u32 s1, s0  }
0x34: {  	s0 =	sadd.s32 $0x8F2B, s0  }
0x35: {  	[sflag:s0] =	ssyncadd.remote.s32 $0x1  }
0x36: {  	_ =	sfence.sel $0xFFFF  }
0x37: {  	[dreg:$0x0] =	wrdreg $0xFFFFFFFF;
	(pc) =	sbr.abs _section_cstart, $3  }
0x38: {  	[dreg:$0x1] =	wrdreg $0xFFFFFFFF  }
0x39: {  	_ =	task.clear_ibuf [dreg:s7], $0x2FFFF;
	_ =	strace $0x9FFFFFFF  }
0x3a: {  	(tm) =	ssettm $0x7FFFFFFF  }
0x3b: {  	_ =	shalt  }
tec
execute0_lowered:
.L_overlay_start_1:
0x0: {  	(tag) =	ssettag $0x1  }
0x1: {  	s0 =	srdreg.scid  }
0x2: {  	s1 =	sshll.u32 s0, $0x4  }
0x3: {  	s0 =	stileid.u32;
	s1 =	sand.u32 $0x10, s1  }
0x4: {  	s1 =	sor.u32 s0, s1  }
0x5: {  	s6 =	rddreg [dreg:$0x0];
	s4 =	simm.s32 $0x1;
	s2 =	sshll.u32 s1, $0x7  }
0x6: {  	s7 =	simm.s32 $0x2;
	s12 =	simm.s32 $0x0;
	s1 =	ssub.s32 $0x4000, s2  }
0x7: {  	s8 =	simm.s32 $0x20000;
	s13 =	simm.s32 $0x0;
	s3 =	sand.u32 $0xF80, s1  }
0x8: {  	s9 =	simm.s32 $0x0;
	s5 =	sshrl.u32 s1, $0xC;
	p0 =	sne.s32 s3, $0x0  }
.Ltmp0:
0x9: {  	s1 =	rddreg [dreg:$0x2];
	s4 =	simm.s32 @!p0 $0x0;
	(pc) =	sbr.rel .LBB1_1-.Ltmp0, $4  }
0xa: {  	s11 =	simm.s32 $0x0;
	s3 =	rddreg [dreg:$0x1];
	s5 =	sadd.s32 s4, s5  }
0xb: {  	_ =	strace $0x8000004A;
	s4 =	simm.s32 $0x1;
	s5 =	smul.u32 $0xC8, s5  }
0xc: {  	s6 =	sadd.s32 $0x800, s6;
	s10 =	smov.u32 s2;
	[sflag:s4] =	ssyncpa.u1 $0x0  }
0xd: {  	p0 =	por $0x0, $0x0;
	[sflag:s7] =	ssyncpa.u1 $0x0;
	s7 =	sor.u32 $0x1, s5  }
.LBB1_4:
0xe: {  	s16 =	sshll.u32 s13, $0x3;
	s17 =	sand.u32 $0x78, s13  }
0xf: {  	s30 =	sand.u32 $0xF800, s13;
	s12 =	sshll.u32 s12, $0x10;
	s16 =	sand.u32 $0x3C00, s16  }
0x10: {  	s31 =	sand.u32 $0x7, s13;
	s16 =	sor.u32 s17, s16;
	s17 =	sadd.s32 s3, s30  }
0x11: {  	s13 =	sshll.u32 s31, $0x12;
	s16 =	sshrl.u32 s16, $0x3;
	s12 =	sadd.s32 s12, s17  }
0x12: {  	[tilespmem:s15+$0x0 ss:$0x81] =	vst.msk $0xffff, v0;
	s13 =	sor.u32 $0x400, s13;
	s12 =	sadd.s32 s16, s12  }
0x13: {  	[hbm4b:s12+s13] =	stream.strided.scatter [tilespmem:s14], [sflag:$0x2], $0x1000, s8, s13, $0x20;
	[tilespmem:$0x4040] =	vst v63  }
.LBB1_5:
0x14: {  	s14 =	sadd.s32 $0x1, s9  }
0x15: {  	s12 =	sadd.s32 $0x1000, s10;
	s16 =	smov.u32 s10;
	p2 =	sgt.s32 s14, $0xC7  }
0x16: {  	s16 =	smov.u32 @p2 s12  }
0x17: {  	s14 =	simm.s32 @p2 $0x0;
	p2 =	sgt.s32 s16, $0x3FFF  }
0x18: {  	s16 =	smov.u32 @p2 s2;
	p2 =	sne.s32 s11, s7  }
.Ltmp1:
0x19: {  	p1 =	slt.u32 s11, $0x2;
	(pc) =	sbr.rel @!p2 .LBB1_6-.Ltmp1, $4  }
0x1a: {  	s15 =	simm.s32 @!p1 $0x2  }
0x1b: {  	s13 =	smov.u32 s10;
	p0 =	por !p0, !p0;
	_ =	swait.ge @!p1 [sflag:s15], $0x1000  }
0x1c: {  	s12 =	smov.u32 s9;
	[sflag:s15] =	ssyncset.done @!p1 $0x0;
	s9 =	smov.u32 s14  }
0x1d: {  	s11 =	sadd.s32 $0x1, s11;
	[sflag:s15] =	ssyncadd.s32 @!p1 $0xFFFFF000;
	s10 =	smov.u32 s16  }
.LBB1_1:
0x1e: {  	p1 =	sge.u32 s11, s5  }
0x1f: {  	s14 =	sand.u32 @!p1 $0x1FFFFFF, s9  }
0x20: {  	s15 =	smulhi.u32 @!p1 $0x147AE15, s14;
	_ =	sdelay $0x1  }
0x21: {  	s15 =	smul.u32 @!p1 $0xC8, s15  }
0x22: {  	s16 =	sxor.u32 @!p1 $0xFFFFFFFF, s11;
	s17 =	smul.u32 @!p1 $0xC80, s10  }
0x23: {  	s31 =	sadd.s32 $0xFFFFFFFF, s11;
	s16 =	sshll.u32 @!p1 s16, $0xC;
	s14 =	ssub.s32 @!p1 s14, s15  }
0x24: {  	s15 =	sand.u32 @!p1 $0x1000, s16;
	s16 =	sadd.s32 @!p1 s6, s17;
	s14 =	sshll.u32 @!p1 s14, $0x4  }
0x25: {  	s17 =	simm.s32 @!p1 $0x6400;
	s14 =	sadd.s32 @!p1 s14, s16;
	s16 =	simm.s32 @!p1 $0x20  }
0x26: {  	[tilespmem:s15], [sflag:$0x1] =	stream.strided.gather @!p1 [hbm4b:s14+s16], $0x1000, s17, s16, $0x38;
	[tilespmem:$0x4040] =	vst v63  }
0x27: {  	p1 =	sge.u32 s31, s5  }
.Ltmp2:
0x28: {  	_ = 	snop;
	(pc) =	sbr.rel @p1 .LBB1_5-.Ltmp2, $1  }
0x29: {  	_ =	sdelay $0x3  }
0x2a: {  	s14 =	simm.s32 $0x1  }
0x2b: {  	_ =	swait.ge [sflag:s4], $0x1000;
	s14 =	simm.s32 @!p0 $0x0  }
0x2c: {  	[sflag:s4] =	ssyncset.done $0x0;
	s15 =	sshll.u32 s14, $0xC  }
0x2d: {  	[sflag:s4] =	ssyncadd.s32 $0xFFFFF000;
	s18 =	sor.u32 $0x10, s15  }
0x2e: {  	s14 =	smul.u32 $0x4080, s14;
	v1 =	vld [tilespmem:s18+$0x0]  }
0x2f: {  	s30 =	sand.u32 $0x1, s11;
	v0 =	vld [tilespmem:s18+$0xFFFFFFF0]  }
0x30: {  	s15 =	smul.u32 $0x4080, s30;
	s14 =	sshrl.u32 s14, $0x2  }
0x31: {  	s16 =	sor.u32 $0x2000, s14  }
0x32: {  	s31 =	sshrl.u32 s15, $0x2;
	s15 =	sadd.s32 $0x0, s16  }
0x33: {  	s17 =	simm.s32 $0x4;
	s18 =	sadd.s32 $0x20, s18;
	s14 =	sor.u32 $0x2000, s31;
	[tilespmem:s15+$0x810 ss:$0x81] =	vst.msk $0xffff, v1  }
.LBB1_3:
0x34: {  	v1 =	vld [tilespmem:s18+$0x0];
	p1 =	sne.s32 s17, $0x1FC;
	[tilespmem:s15+$0x0 ss:$0x81] =	vst.msk $0xffff, v0;
	s15 =	smov.u32 s17;
	s17 =	sadd.s32 $0x4, s17  }
.Ltmp3:
0x35: {  	v0 =	vld [tilespmem:s18+$0xFFFFFFF0];
	(pc) =	sbr.rel @p1 .LBB1_3-.Ltmp3, $4  }
0x36: {  	_ = 	snop  }
0x37: {  	s15 =	sshra.s32 s15, $0x2  }
0x38: {  	s15 =	sadd.s32 s15, s16  }
0x39: {  	s18 =	sadd.s32 $0x20, s18;
	[tilespmem:s15+$0x810 ss:$0x81] =	vst.msk $0xffff, v1  }
.Ltmp4:
0x3a: {  	_ = 	snop;
	(pc) =	sbr.rel .LBB1_4-.Ltmp4, $1  }
0x3b: {  	_ =	sdelay $0x3  }
.LBB1_6:
0x3c: {  	_ =	sfence.sel $0x180000  }
0x3d: {  	s2 =	simm.s32 $0x1;
	[bflag:$0x0] =	sbarrier.arrive $0xFFFF  }
0x3e: {  	s31 =	simm.s32 $0x2;
	[sflag:s2] =	ssyncpa.u1 $0x1  }
0x3f: {  	[sflag:s31] =	ssyncpa.u1 $0x1  }
0x40: {  	p0 =	sne.s32 s0, $0x0;
	_ =	strace $0x9000004A  }
0x41: {  	s0 =	sadd.s32 @!p0 $0x100000, s1;
	[bflag:$0x2] =	sbarrier.arrive $0xFFFF  }
0x42: {  	[sflag:s0] =	ssyncadd.tile.s32 @!p0 $0x1;
	_ =	shalt  }
.Lfunc_end1:
_tile_overlayer_lowered:
.L_overlay_start_2:
0x43: {  	(tag) =	ssettag $0x2  }
0x44: {  	s0 =	rddreg [dreg:$0x0];
	s2 =	stileid.u32  }
0x45: {  	s1 =	rddreg [dreg:$0x1];
	p0 =	sne.s32 s2, $0x0  }
0x46: {  	s3 =	rddreg [dreg:$0x2];
	[bflag:$0x3] =	sbarrier.arrive $0xFFFF;
	s2 =	simm.s32 @!p0 $0x1C01  }
0x47: {  	[timem:s3], [sflag:s2] =	dma.local @!p0 [hbm:s0], s1  }
0x48: {  	s0 =	simm.s32 @!p0 $0x1  }
0x49: {  	_ =	swait.ge @!p0 [sflag:s0], s1  }
0x4a: {  	s1 =	ssub.s32 @!p0 $0x0, s1;
	[sflag:s0] =	ssyncset.done @!p0 $0x0  }
0x4b: {  	[sflag:s0] =	ssyncadd.s32 @!p0 s1  }
0x4c: {  	[bflag:$0x3] =	sbarrier.arrive $0xFFFF  }
0x4d: {  	_ =	shalt  }

</sc_bundles>
